<compile_context>
chip_gen: v7x
topology: tpu7x:2x2x1
jax: 0.10.2.dev20260603
libtpu: 0.0.44.dev20260713+nightly
codegen_flags: <defaults>
</compile_context>

<pallas_src>
import functools

import jax
import jax.numpy as jnp
from jax import lax
from jax.experimental import pallas as pl
from jax.experimental.pallas import tpu as pltpu
from jax.experimental.pallas import tpu_sc as plsc

_NUM_CORES = 2
_NUM_SUBCORES = 16
_NW = _NUM_CORES * _NUM_SUBCORES

_BATCH = 4096
_SEQ = 200
_D = 64
_BPW = _BATCH // _NW
_NBUF = 4
assert _BPW % _NBUF == 0


@functools.partial(
    pl.kernel,
    out_type=jax.ShapeDtypeStruct((_BATCH, _SEQ, _D), jnp.float32),
    mesh=plsc.VectorSubcoreMesh(core_axis_name="c", subcore_axis_name="s"),
    scratch_types=(
        [
            pltpu.VMEM((_BPW, _SEQ), jnp.int32),
            pltpu.VMEM((_NBUF, _SEQ, _D), jnp.float32),
        ]
        + [pltpu.SemaphoreType.DMA] * (2 * _NBUF)
    ),
    compiler_params=pltpu.CompilerParams(use_tc_tiling_on_sc=False),
)
def _embed_sc(tokens_hbm, table_hbm, out_hbm, idx_v, rows_v, *sems):
    gsem = sems[:_NBUF]
    osem = sems[_NBUF:]
    wid = lax.axis_index("s") * _NUM_CORES + lax.axis_index("c")
    base = wid * _BPW

    pltpu.sync_copy(tokens_hbm.at[pl.ds(base, _BPW)], idx_v)

    def start_gather(i, b):
        pltpu.async_copy(table_hbm.at[idx_v.at[i]], rows_v.at[b], gsem[b])

    def wait_gather(b):
        pltpu.make_async_copy(
            out_hbm.at[base], rows_v.at[b], gsem[b]
        ).wait()

    def start_out(i, b):
        pltpu.async_copy(rows_v.at[b], out_hbm.at[base + i], osem[b])

    def wait_out(b):
        pltpu.make_async_copy(rows_v.at[b], out_hbm.at[base], osem[b]).wait()

    for b in range(_NBUF):
        start_gather(b, b)

    @pl.loop(0, _BPW, step=_NBUF)
    def _group(g):
        for b in range(_NBUF):
            wait_gather(b)
            start_out(g + b, b)
        for b in range(_NBUF):
            i = g + b

            @pl.when(i + _NBUF < _BPW)
            def _():
                wait_out(b)
                start_gather(i + _NBUF, b)

    for b in range(_NBUF):
        wait_out(b)


def kernel(tokens_id, weight):
    return _embed_sc(tokens_id, weight)

# --- scband reference (transcript-rebuilt; emitter-appended) ---
"""Pipeline reference for scband-embedding-38208029065974 (READ-ONLY COPY).

The authoritative reference and input builder live on the scoring server;
editing this copy changes nothing except your own understanding.
"""

import jax, jax.numpy as jnp
import numpy as np

VOCAB = 1000000
D_MODEL = 64
BATCH = 4096
SEQ = 200

def setup_inputs(seed: int = 0) -> dict:
    key = jax.random.key(seed)
    k_idx, k_w = jax.random.split(key)
    tokens_id = jax.random.randint(k_idx, (BATCH, SEQ), 0, VOCAB, dtype=jnp.int64 if jax.config.jax_enable_x64 else jnp.int32)
    weight = jax.random.normal(k_w, (VOCAB, D_MODEL), dtype=jnp.float32) * 0.02
    return {"tokens_id": tokens_id, "weight": weight}

def reference(tokens_id, weight):
    # Faithful translation of: return self.weight[tokens_id]
    return jnp.take(weight, tokens_id, axis=0)

if __name__ == "__main__":
    import jax
    _d = setup_inputs()
    print(jax.jit(kernel)(*tuple(_d.values())))

</pallas_src>

<mosaic_0001>
#map = affine_map<(d0, d1) -> (0, 0)>
#map1 = affine_map<(d0, d1) -> (0, 0, 0)>
module attributes {stable_mosaic.version = 14 : i64} {
  func.func @_embed_sc(%arg0: i32, %arg1: i32, %arg2: memref<4096x200xi32, #tpu.memory_space<hbm>>, %arg3: memref<1000000x64xf32, #tpu.memory_space<hbm>>, %arg4: memref<4096x200x64xf32, #tpu.memory_space<hbm>>, %arg5: memref<128x200xi32, #tpu.memory_space<vmem>>, %arg6: memref<4x200x64xf32, #tpu.memory_space<vmem>>, %arg7: memref<!tpu.dma_semaphore, #tpu.memory_space<semaphore_mem>>, %arg8: memref<!tpu.dma_semaphore, #tpu.memory_space<semaphore_mem>>, %arg9: memref<!tpu.dma_semaphore, #tpu.memory_space<semaphore_mem>>, %arg10: memref<!tpu.dma_semaphore, #tpu.memory_space<semaphore_mem>>, %arg11: memref<!tpu.dma_semaphore, #tpu.memory_space<semaphore_mem>>, %arg12: memref<!tpu.dma_semaphore, #tpu.memory_space<semaphore_mem>>, %arg13: memref<!tpu.dma_semaphore, #tpu.memory_space<semaphore_mem>>, %arg14: memref<!tpu.dma_semaphore, #tpu.memory_space<semaphore_mem>>) attributes {dimension_semantics = [#tpu.dimension_semantics<core_parallel>, #tpu.dimension_semantics<subcore_parallel>], iteration_bounds = array<i64: 2, 16>, scalar_prefetch = 0 : i64, scratch_operands = 10 : i64, tpu.core_type = #tpu.core_type<sc_vector_subcore>, window_params = [{transform_indices = #map}, {transform_indices = #map}, {transform_indices = #map1}]} {
    %mul3A = arith.constant 2 : i32
    %mul3A_0 = arith.muli %arg1, %mul3A : i32
    %add3A = arith.addi %mul3A_0, %arg0 : i32
    %mul3A_1 = arith.constant 128 : i32
    %mul3A_2 = arith.muli %add3A, %mul3A_1 : i32
    "tpu.region"() ({
      %run_scoped3A = tpu.sem_alloc : memref<!tpu.dma_semaphore, #tpu.memory_space<semaphore_mem>>
      %dma_start3A_121 = arith.constant 0 : i32
      %dma_start3A_122 = tpu.memref_slice %arg2[%mul3A_2, %dma_start3A_121] : memref<4096x200xi32, #tpu.memory_space<hbm>> -> memref<128x200xi32, #tpu.memory_space<hbm>>
      %dma_start3A_123 = arith.constant 0 : i32
      %dma_start3A_124 = tpu.memref_slice %arg2[%mul3A_2, %dma_start3A_123] : memref<4096x200xi32, #tpu.memory_space<hbm>> -> memref<128x200xi32, #tpu.memory_space<hbm>>
      tpu.enqueue_dma source(%dma_start3A_124 : memref<128x200xi32, #tpu.memory_space<hbm>>) target(%arg5 : memref<128x200xi32, #tpu.memory_space<vmem>>) target_semaphore(%run_scoped3A : memref<!tpu.dma_semaphore, #tpu.memory_space<semaphore_mem>>)
      %dma_wait3A_125 = arith.constant 0 : i32
      %dma_wait3A_126 = tpu.memref_slice %arg2[%mul3A_2, %dma_wait3A_125] : memref<4096x200xi32, #tpu.memory_space<hbm>> -> memref<128x200xi32, #tpu.memory_space<hbm>>
      %dma_wait3A_127 = arith.constant 0 : i32
      %dma_wait3A_128 = tpu.memref_slice %arg2[%mul3A_2, %dma_wait3A_127] : memref<4096x200xi32, #tpu.memory_space<hbm>> -> memref<128x200xi32, #tpu.memory_space<hbm>>
      tpu.wait_dma2 semaphore(%run_scoped3A : memref<!tpu.dma_semaphore, #tpu.memory_space<semaphore_mem>>) src(%dma_wait3A_128 : memref<128x200xi32, #tpu.memory_space<hbm>>) dst(%arg5 : memref<128x200xi32, #tpu.memory_space<vmem>>)
      tpu.yield
    }) : () -> ()
    %dma_start3A = arith.constant 0 : i32
    %dma_start3A_3 = arith.constant 0 : i32
    %dma_start3A_4 = arith.constant 0 : i32
    %dma_start3A_5 = arith.constant 0 : i32
    %dma_start3A_6 = tpu.memref_slice %arg6[%dma_start3A_3, %dma_start3A_4, %dma_start3A_5] : memref<4x200x64xf32, #tpu.memory_space<vmem>> -> memref<1x200x64xf32, #tpu.memory_space<vmem>>
    %dma_start3A_7 = tpu.memref_squeeze %dma_start3A_6 : memref<1x200x64xf32, #tpu.memory_space<vmem>> -> memref<200x64xf32, #tpu.memory_space<vmem>>
    %dma_start3A_8 = arith.constant 0 : i32
    %dma_start3A_9 = tpu.memref_slice %arg5[%dma_start3A, %dma_start3A_8] : memref<128x200xi32, #tpu.memory_space<vmem>> -> memref<1x200xi32, #tpu.memory_space<vmem>>
    %dma_start3A_10 = tpu.memref_squeeze %dma_start3A_9 : memref<1x200xi32, #tpu.memory_space<vmem>> -> memref<200xi32, #tpu.memory_space<vmem>>
    %dma_start3A_11 = arith.constant 0 : i32
    %dma_start3A_12 = arith.constant 0 : i32
    %dma_start3A_13 = tpu.memref_slice %arg3[%dma_start3A_11, %dma_start3A_12] : memref<1000000x64xf32, #tpu.memory_space<hbm>> -> memref<1000000x64xf32, #tpu.memory_space<hbm>>
    tpu.enqueue_indirect_dma source(%dma_start3A_13 : memref<1000000x64xf32, #tpu.memory_space<hbm>>) target(%dma_start3A_7 : memref<200x64xf32, #tpu.memory_space<vmem>>) offsets(%dma_start3A_10 : memref<200xi32, #tpu.memory_space<vmem>>) semaphore(%arg7 : memref<!tpu.dma_semaphore, #tpu.memory_space<semaphore_mem>>)
    %dma_start3A_14 = arith.constant 1 : i32
    %dma_start3A_15 = arith.constant 1 : i32
    %dma_start3A_16 = arith.constant 0 : i32
    %dma_start3A_17 = arith.constant 0 : i32
    %dma_start3A_18 = tpu.memref_slice %arg6[%dma_start3A_15, %dma_start3A_16, %dma_start3A_17] : memref<4x200x64xf32, #tpu.memory_space<vmem>> -> memref<1x200x64xf32, #tpu.memory_space<vmem>>
    %dma_start3A_19 = tpu.memref_squeeze %dma_start3A_18 : memref<1x200x64xf32, #tpu.memory_space<vmem>> -> memref<200x64xf32, #tpu.memory_space<vmem>>
    %dma_start3A_20 = arith.constant 0 : i32
    %dma_start3A_21 = tpu.memref_slice %arg5[%dma_start3A_14, %dma_start3A_20] : memref<128x200xi32, #tpu.memory_space<vmem>> -> memref<1x200xi32, #tpu.memory_space<vmem>>
    %dma_start3A_22 = tpu.memref_squeeze %dma_start3A_21 : memref<1x200xi32, #tpu.memory_space<vmem>> -> memref<200xi32, #tpu.memory_space<vmem>>
    %dma_start3A_23 = arith.constant 0 : i32
    %dma_start3A_24 = arith.constant 0 : i32
    %dma_start3A_25 = tpu.memref_slice %arg3[%dma_start3A_23, %dma_start3A_24] : memref<1000000x64xf32, #tpu.memory_space<hbm>> -> memref<1000000x64xf32, #tpu.memory_space<hbm>>
    tpu.enqueue_indirect_dma source(%dma_start3A_25 : memref<1000000x64xf32, #tpu.memory_space<hbm>>) target(%dma_start3A_19 : memref<200x64xf32, #tpu.memory_space<vmem>>) offsets(%dma_start3A_22 : memref<200xi32, #tpu.memory_space<vmem>>) semaphore(%arg8 : memref<!tpu.dma_semaphore, #tpu.memory_space<semaphore_mem>>)
    %dma_start3A_26 = arith.constant 2 : i32
    %dma_start3A_27 = arith.constant 2 : i32
    %dma_start3A_28 = arith.constant 0 : i32
    %dma_start3A_29 = arith.constant 0 : i32
    %dma_start3A_30 = tpu.memref_slice %arg6[%dma_start3A_27, %dma_start3A_28, %dma_start3A_29] : memref<4x200x64xf32, #tpu.memory_space<vmem>> -> memref<1x200x64xf32, #tpu.memory_space<vmem>>
    %dma_start3A_31 = tpu.memref_squeeze %dma_start3A_30 : memref<1x200x64xf32, #tpu.memory_space<vmem>> -> memref<200x64xf32, #tpu.memory_space<vmem>>
    %dma_start3A_32 = arith.constant 0 : i32
    %dma_start3A_33 = tpu.memref_slice %arg5[%dma_start3A_26, %dma_start3A_32] : memref<128x200xi32, #tpu.memory_space<vmem>> -> memref<1x200xi32, #tpu.memory_space<vmem>>
    %dma_start3A_34 = tpu.memref_squeeze %dma_start3A_33 : memref<1x200xi32, #tpu.memory_space<vmem>> -> memref<200xi32, #tpu.memory_space<vmem>>
    %dma_start3A_35 = arith.constant 0 : i32
    %dma_start3A_36 = arith.constant 0 : i32
    %dma_start3A_37 = tpu.memref_slice %arg3[%dma_start3A_35, %dma_start3A_36] : memref<1000000x64xf32, #tpu.memory_space<hbm>> -> memref<1000000x64xf32, #tpu.memory_space<hbm>>
    tpu.enqueue_indirect_dma source(%dma_start3A_37 : memref<1000000x64xf32, #tpu.memory_space<hbm>>) target(%dma_start3A_31 : memref<200x64xf32, #tpu.memory_space<vmem>>) offsets(%dma_start3A_34 : memref<200xi32, #tpu.memory_space<vmem>>) semaphore(%arg9 : memref<!tpu.dma_semaphore, #tpu.memory_space<semaphore_mem>>)
    %dma_start3A_38 = arith.constant 3 : i32
    %dma_start3A_39 = arith.constant 3 : i32
    %dma_start3A_40 = arith.constant 0 : i32
    %dma_start3A_41 = arith.constant 0 : i32
    %dma_start3A_42 = tpu.memref_slice %arg6[%dma_start3A_39, %dma_start3A_40, %dma_start3A_41] : memref<4x200x64xf32, #tpu.memory_space<vmem>> -> memref<1x200x64xf32, #tpu.memory_space<vmem>>
    %dma_start3A_43 = tpu.memref_squeeze %dma_start3A_42 : memref<1x200x64xf32, #tpu.memory_space<vmem>> -> memref<200x64xf32, #tpu.memory_space<vmem>>
    %dma_start3A_44 = arith.constant 0 : i32
    %dma_start3A_45 = tpu.memref_slice %arg5[%dma_start3A_38, %dma_start3A_44] : memref<128x200xi32, #tpu.memory_space<vmem>> -> memref<1x200xi32, #tpu.memory_space<vmem>>
    %dma_start3A_46 = tpu.memref_squeeze %dma_start3A_45 : memref<1x200xi32, #tpu.memory_space<vmem>> -> memref<200xi32, #tpu.memory_space<vmem>>
    %dma_start3A_47 = arith.constant 0 : i32
    %dma_start3A_48 = arith.constant 0 : i32
    %dma_start3A_49 = tpu.memref_slice %arg3[%dma_start3A_47, %dma_start3A_48] : memref<1000000x64xf32, #tpu.memory_space<hbm>> -> memref<1000000x64xf32, #tpu.memory_space<hbm>>
    tpu.enqueue_indirect_dma source(%dma_start3A_49 : memref<1000000x64xf32, #tpu.memory_space<hbm>>) target(%dma_start3A_43 : memref<200x64xf32, #tpu.memory_space<vmem>>) offsets(%dma_start3A_46 : memref<200xi32, #tpu.memory_space<vmem>>) semaphore(%arg10 : memref<!tpu.dma_semaphore, #tpu.memory_space<semaphore_mem>>)
    %scan3A = arith.constant 0 : i32
    %scan3A_50 = arith.constant 32 : i32
    %scan3A_51 = arith.addi %scan3A, %scan3A_50 : i32
    %scan3A_52 = arith.constant 1 : i32
    scf.for %scan3A_121 = %scan3A to %scan3A_51 step %scan3A_52  : i32 {
      %mul3A_122 = arith.constant 4 : i32
      %mul3A_123 = arith.muli %scan3A_121, %mul3A_122 : i32
      %add3A_124 = arith.constant 0 : i32
      %add3A_125 = arith.addi %add3A_124, %mul3A_123 : i32
      %dma_wait3A_126 = arith.constant 0 : i32
      %dma_wait3A_127 = arith.constant 0 : i32
      %dma_wait3A_128 = arith.constant 0 : i32
      %dma_wait3A_129 = tpu.memref_slice %arg6[%dma_wait3A_126, %dma_wait3A_127, %dma_wait3A_128] : memref<4x200x64xf32, #tpu.memory_space<vmem>> -> memref<1x200x64xf32, #tpu.memory_space<vmem>>
      %dma_wait3A_130 = tpu.memref_squeeze %dma_wait3A_129 : memref<1x200x64xf32, #tpu.memory_space<vmem>> -> memref<200x64xf32, #tpu.memory_space<vmem>>
      %dma_wait3A_131 = arith.constant 0 : i32
      %dma_wait3A_132 = arith.constant 0 : i32
      %dma_wait3A_133 = tpu.memref_slice %arg4[%mul3A_2, %dma_wait3A_131, %dma_wait3A_132] : memref<4096x200x64xf32, #tpu.memory_space<hbm>> -> memref<1x200x64xf32, #tpu.memory_space<hbm>>
      %dma_wait3A_134 = tpu.memref_squeeze %dma_wait3A_133 : memref<1x200x64xf32, #tpu.memory_space<hbm>> -> memref<200x64xf32, #tpu.memory_space<hbm>>
      %dma_wait3A_135 = arith.constant 0 : i32
      %dma_wait3A_136 = arith.constant 0 : i32
      %dma_wait3A_137 = tpu.memref_slice %arg6[%dma_wait3A_126, %dma_wait3A_135, %dma_wait3A_136] : memref<4x200x64xf32, #tpu.memory_space<vmem>> -> memref<1x200x64xf32, #tpu.memory_space<vmem>>
      %dma_wait3A_138 = tpu.memref_squeeze %dma_wait3A_137 : memref<1x200x64xf32, #tpu.memory_space<vmem>> -> memref<200x64xf32, #tpu.memory_space<vmem>>
      %dma_wait3A_139 = arith.constant 0 : i32
      %dma_wait3A_140 = arith.constant 0 : i32
      %dma_wait3A_141 = tpu.memref_slice %arg4[%mul3A_2, %dma_wait3A_139, %dma_wait3A_140] : memref<4096x200x64xf32, #tpu.memory_space<hbm>> -> memref<1x200x64xf32, #tpu.memory_space<hbm>>
      %dma_wait3A_142 = tpu.memref_squeeze %dma_wait3A_141 : memref<1x200x64xf32, #tpu.memory_space<hbm>> -> memref<200x64xf32, #tpu.memory_space<hbm>>
      tpu.wait_dma2 semaphore(%arg7 : memref<!tpu.dma_semaphore, #tpu.memory_space<semaphore_mem>>) src(%dma_wait3A_142 : memref<200x64xf32, #tpu.memory_space<hbm>>) dst(%dma_wait3A_138 : memref<200x64xf32, #tpu.memory_space<vmem>>)
      %add3A_143 = arith.constant 0 : i32
      %add3A_144 = arith.addi %add3A_125, %add3A_143 : i32
      %add3A_145 = arith.addi %mul3A_2, %add3A_144 : i32
      %dma_start3A_146 = arith.constant 0 : i32
      %dma_start3A_147 = arith.constant 0 : i32
      %dma_start3A_148 = arith.constant 0 : i32
      %dma_start3A_149 = tpu.memref_slice %arg6[%dma_start3A_146, %dma_start3A_147, %dma_start3A_148] : memref<4x200x64xf32, #tpu.memory_space<vmem>> -> memref<1x200x64xf32, #tpu.memory_space<vmem>>
      %dma_start3A_150 = tpu.memref_squeeze %dma_start3A_149 : memref<1x200x64xf32, #tpu.memory_space<vmem>> -> memref<200x64xf32, #tpu.memory_space<vmem>>
      %dma_start3A_151 = arith.constant 0 : i32
      %dma_start3A_152 = arith.constant 0 : i32
      %dma_start3A_153 = tpu.memref_slice %arg4[%add3A_145, %dma_start3A_151, %dma_start3A_152] : memref<4096x200x64xf32, #tpu.memory_space<hbm>> -> memref<1x200x64xf32, #tpu.memory_space<hbm>>
      %dma_start3A_154 = tpu.memref_squeeze %dma_start3A_153 : memref<1x200x64xf32, #tpu.memory_space<hbm>> -> memref<200x64xf32, #tpu.memory_space<hbm>>
      %dma_start3A_155 = arith.constant 0 : i32
      %dma_start3A_156 = arith.constant 0 : i32
      %dma_start3A_157 = tpu.memref_slice %arg4[%add3A_145, %dma_start3A_155, %dma_start3A_156] : memref<4096x200x64xf32, #tpu.memory_space<hbm>> -> memref<1x200x64xf32, #tpu.memory_space<hbm>>
      %dma_start3A_158 = tpu.memref_squeeze %dma_start3A_157 : memref<1x200x64xf32, #tpu.memory_space<hbm>> -> memref<200x64xf32, #tpu.memory_space<hbm>>
      %dma_start3A_159 = arith.constant 0 : i32
      %dma_start3A_160 = arith.constant 0 : i32
      %dma_start3A_161 = tpu.memref_slice %arg6[%dma_start3A_146, %dma_start3A_159, %dma_start3A_160] : memref<4x200x64xf32, #tpu.memory_space<vmem>> -> memref<1x200x64xf32, #tpu.memory_space<vmem>>
      %dma_start3A_162 = tpu.memref_squeeze %dma_start3A_161 : memref<1x200x64xf32, #tpu.memory_space<vmem>> -> memref<200x64xf32, #tpu.memory_space<vmem>>
      tpu.enqueue_dma source(%dma_start3A_162 : memref<200x64xf32, #tpu.memory_space<vmem>>) target(%dma_start3A_158 : memref<200x64xf32, #tpu.memory_space<hbm>>) target_semaphore(%arg11 : memref<!tpu.dma_semaphore, #tpu.memory_space<semaphore_mem>>)
      %dma_wait3A_163 = arith.constant 1 : i32
      %dma_wait3A_164 = arith.constant 0 : i32
      %dma_wait3A_165 = arith.constant 0 : i32
      %dma_wait3A_166 = tpu.memref_slice %arg6[%dma_wait3A_163, %dma_wait3A_164, %dma_wait3A_165] : memref<4x200x64xf32, #tpu.memory_space<vmem>> -> memref<1x200x64xf32, #tpu.memory_space<vmem>>
      %dma_wait3A_167 = tpu.memref_squeeze %dma_wait3A_166 : memref<1x200x64xf32, #tpu.memory_space<vmem>> -> memref<200x64xf32, #tpu.memory_space<vmem>>
      %dma_wait3A_168 = arith.constant 0 : i32
      %dma_wait3A_169 = arith.constant 0 : i32
      %dma_wait3A_170 = tpu.memref_slice %arg4[%mul3A_2, %dma_wait3A_168, %dma_wait3A_169] : memref<4096x200x64xf32, #tpu.memory_space<hbm>> -> memref<1x200x64xf32, #tpu.memory_space<hbm>>
      %dma_wait3A_171 = tpu.memref_squeeze %dma_wait3A_170 : memref<1x200x64xf32, #tpu.memory_space<hbm>> -> memref<200x64xf32, #tpu.memory_space<hbm>>
      %dma_wait3A_172 = arith.constant 0 : i32
      %dma_wait3A_173 = arith.constant 0 : i32
      %dma_wait3A_174 = tpu.memref_slice %arg6[%dma_wait3A_163, %dma_wait3A_172, %dma_wait3A_173] : memref<4x200x64xf32, #tpu.memory_space<vmem>> -> memref<1x200x64xf32, #tpu.memory_space<vmem>>
      %dma_wait3A_175 = tpu.memref_squeeze %dma_wait3A_174 : memref<1x200x64xf32, #tpu.memory_space<vmem>> -> memref<200x64xf32, #tpu.memory_space<vmem>>
      %dma_wait3A_176 = arith.constant 0 : i32
      %dma_wait3A_177 = arith.constant 0 : i32
      %dma_wait3A_178 = tpu.memref_slice %arg4[%mul3A_2, %dma_wait3A_176, %dma_wait3A_177] : memref<4096x200x64xf32, #tpu.memory_space<hbm>> -> memref<1x200x64xf32, #tpu.memory_space<hbm>>
      %dma_wait3A_179 = tpu.memref_squeeze %dma_wait3A_178 : memref<1x200x64xf32, #tpu.memory_space<hbm>> -> memref<200x64xf32, #tpu.memory_space<hbm>>
      tpu.wait_dma2 semaphore(%arg8 : memref<!tpu.dma_semaphore, #tpu.memory_space<semaphore_mem>>) src(%dma_wait3A_179 : memref<200x64xf32, #tpu.memory_space<hbm>>) dst(%dma_wait3A_175 : memref<200x64xf32, #tpu.memory_space<vmem>>)
      %add3A_180 = arith.constant 1 : i32
      %add3A_181 = arith.addi %add3A_125, %add3A_180 : i32
      %add3A_182 = arith.addi %mul3A_2, %add3A_181 : i32
      %dma_start3A_183 = arith.constant 1 : i32
      %dma_start3A_184 = arith.constant 0 : i32
      %dma_start3A_185 = arith.constant 0 : i32
      %dma_start3A_186 = tpu.memref_slice %arg6[%dma_start3A_183, %dma_start3A_184, %dma_start3A_185] : memref<4x200x64xf32, #tpu.memory_space<vmem>> -> memref<1x200x64xf32, #tpu.memory_space<vmem>>
      %dma_start3A_187 = tpu.memref_squeeze %dma_start3A_186 : memref<1x200x64xf32, #tpu.memory_space<vmem>> -> memref<200x64xf32, #tpu.memory_space<vmem>>
      %dma_start3A_188 = arith.constant 0 : i32
      %dma_start3A_189 = arith.constant 0 : i32
      %dma_start3A_190 = tpu.memref_slice %arg4[%add3A_182, %dma_start3A_188, %dma_start3A_189] : memref<4096x200x64xf32, #tpu.memory_space<hbm>> -> memref<1x200x64xf32, #tpu.memory_space<hbm>>
      %dma_start3A_191 = tpu.memref_squeeze %dma_start3A_190 : memref<1x200x64xf32, #tpu.memory_space<hbm>> -> memref<200x64xf32, #tpu.memory_space<hbm>>
      %dma_start3A_192 = arith.constant 0 : i32
      %dma_start3A_193 = arith.constant 0 : i32
      %dma_start3A_194 = tpu.memref_slice %arg4[%add3A_182, %dma_start3A_192, %dma_start3A_193] : memref<4096x200x64xf32, #tpu.memory_space<hbm>> -> memref<1x200x64xf32, #tpu.memory_space<hbm>>
      %dma_start3A_195 = tpu.memref_squeeze %dma_start3A_194 : memref<1x200x64xf32, #tpu.memory_space<hbm>> -> memref<200x64xf32, #tpu.memory_space<hbm>>
      %dma_start3A_196 = arith.constant 0 : i32
      %dma_start3A_197 = arith.constant 0 : i32
      %dma_start3A_198 = tpu.memref_slice %arg6[%dma_start3A_183, %dma_start3A_196, %dma_start3A_197] : memref<4x200x64xf32, #tpu.memory_space<vmem>> -> memref<1x200x64xf32, #tpu.memory_space<vmem>>
      %dma_start3A_199 = tpu.memref_squeeze %dma_start3A_198 : memref<1x200x64xf32, #tpu.memory_space<vmem>> -> memref<200x64xf32, #tpu.memory_space<vmem>>
      tpu.enqueue_dma source(%dma_start3A_199 : memref<200x64xf32, #tpu.memory_space<vmem>>) target(%dma_start3A_195 : memref<200x64xf32, #tpu.memory_space<hbm>>) target_semaphore(%arg12 : memref<!tpu.dma_semaphore, #tpu.memory_space<semaphore_mem>>)
      %dma_wait3A_200 = arith.constant 2 : i32
      %dma_wait3A_201 = arith.constant 0 : i32
      %dma_wait3A_202 = arith.constant 0 : i32
      %dma_wait3A_203 = tpu.memref_slice %arg6[%dma_wait3A_200, %dma_wait3A_201, %dma_wait3A_202] : memref<4x200x64xf32, #tpu.memory_space<vmem>> -> memref<1x200x64xf32, #tpu.memory_space<vmem>>
      %dma_wait3A_204 = tpu.memref_squeeze %dma_wait3A_203 : memref<1x200x64xf32, #tpu.memory_space<vmem>> -> memref<200x64xf32, #tpu.memory_space<vmem>>
      %dma_wait3A_205 = arith.constant 0 : i32
      %dma_wait3A_206 = arith.constant 0 : i32
      %dma_wait3A_207 = tpu.memref_slice %arg4[%mul3A_2, %dma_wait3A_205, %dma_wait3A_206] : memref<4096x200x64xf32, #tpu.memory_space<hbm>> -> memref<1x200x64xf32, #tpu.memory_space<hbm>>
      %dma_wait3A_208 = tpu.memref_squeeze %dma_wait3A_207 : memref<1x200x64xf32, #tpu.memory_space<hbm>> -> memref<200x64xf32, #tpu.memory_space<hbm>>
      %dma_wait3A_209 = arith.constant 0 : i32
      %dma_wait3A_210 = arith.constant 0 : i32
      %dma_wait3A_211 = tpu.memref_slice %arg6[%dma_wait3A_200, %dma_wait3A_209, %dma_wait3A_210] : memref<4x200x64xf32, #tpu.memory_space<vmem>> -> memref<1x200x64xf32, #tpu.memory_space<vmem>>
      %dma_wait3A_212 = tpu.memref_squeeze %dma_wait3A_211 : memref<1x200x64xf32, #tpu.memory_space<vmem>> -> memref<200x64xf32, #tpu.memory_space<vmem>>
      %dma_wait3A_213 = arith.constant 0 : i32
      %dma_wait3A_214 = arith.constant 0 : i32
      %dma_wait3A_215 = tpu.memref_slice %arg4[%mul3A_2, %dma_wait3A_213, %dma_wait3A_214] : memref<4096x200x64xf32, #tpu.memory_space<hbm>> -> memref<1x200x64xf32, #tpu.memory_space<hbm>>
      %dma_wait3A_216 = tpu.memref_squeeze %dma_wait3A_215 : memref<1x200x64xf32, #tpu.memory_space<hbm>> -> memref<200x64xf32, #tpu.memory_space<hbm>>
      tpu.wait_dma2 semaphore(%arg9 : memref<!tpu.dma_semaphore, #tpu.memory_space<semaphore_mem>>) src(%dma_wait3A_216 : memref<200x64xf32, #tpu.memory_space<hbm>>) dst(%dma_wait3A_212 : memref<200x64xf32, #tpu.memory_space<vmem>>)
      %add3A_217 = arith.constant 2 : i32
      %add3A_218 = arith.addi %add3A_125, %add3A_217 : i32
      %add3A_219 = arith.addi %mul3A_2, %add3A_218 : i32
      %dma_start3A_220 = arith.constant 2 : i32
      %dma_start3A_221 = arith.constant 0 : i32
      %dma_start3A_222 = arith.constant 0 : i32
      %dma_start3A_223 = tpu.memref_slice %arg6[%dma_start3A_220, %dma_start3A_221, %dma_start3A_222] : memref<4x200x64xf32, #tpu.memory_space<vmem>> -> memref<1x200x64xf32, #tpu.memory_space<vmem>>
      %dma_start3A_224 = tpu.memref_squeeze %dma_start3A_223 : memref<1x200x64xf32, #tpu.memory_space<vmem>> -> memref<200x64xf32, #tpu.memory_space<vmem>>
      %dma_start3A_225 = arith.constant 0 : i32
      %dma_start3A_226 = arith.constant 0 : i32
      %dma_start3A_227 = tpu.memref_slice %arg4[%add3A_219, %dma_start3A_225, %dma_start3A_226] : memref<4096x200x64xf32, #tpu.memory_space<hbm>> -> memref<1x200x64xf32, #tpu.memory_space<hbm>>
      %dma_start3A_228 = tpu.memref_squeeze %dma_start3A_227 : memref<1x200x64xf32, #tpu.memory_space<hbm>> -> memref<200x64xf32, #tpu.memory_space<hbm>>
      %dma_start3A_229 = arith.constant 0 : i32
      %dma_start3A_230 = arith.constant 0 : i32
      %dma_start3A_231 = tpu.memref_slice %arg4[%add3A_219, %dma_start3A_229, %dma_start3A_230] : memref<4096x200x64xf32, #tpu.memory_space<hbm>> -> memref<1x200x64xf32, #tpu.memory_space<hbm>>
      %dma_start3A_232 = tpu.memref_squeeze %dma_start3A_231 : memref<1x200x64xf32, #tpu.memory_space<hbm>> -> memref<200x64xf32, #tpu.memory_space<hbm>>
      %dma_start3A_233 = arith.constant 0 : i32
      %dma_start3A_234 = arith.constant 0 : i32
      %dma_start3A_235 = tpu.memref_slice %arg6[%dma_start3A_220, %dma_start3A_233, %dma_start3A_234] : memref<4x200x64xf32, #tpu.memory_space<vmem>> -> memref<1x200x64xf32, #tpu.memory_space<vmem>>
      %dma_start3A_236 = tpu.memref_squeeze %dma_start3A_235 : memref<1x200x64xf32, #tpu.memory_space<vmem>> -> memref<200x64xf32, #tpu.memory_space<vmem>>
      tpu.enqueue_dma source(%dma_start3A_236 : memref<200x64xf32, #tpu.memory_space<vmem>>) target(%dma_start3A_232 : memref<200x64xf32, #tpu.memory_space<hbm>>) target_semaphore(%arg13 : memref<!tpu.dma_semaphore, #tpu.memory_space<semaphore_mem>>)
      %dma_wait3A_237 = arith.constant 3 : i32
      %dma_wait3A_238 = arith.constant 0 : i32
      %dma_wait3A_239 = arith.constant 0 : i32
      %dma_wait3A_240 = tpu.memref_slice %arg6[%dma_wait3A_237, %dma_wait3A_238, %dma_wait3A_239] : memref<4x200x64xf32, #tpu.memory_space<vmem>> -> memref<1x200x64xf32, #tpu.memory_space<vmem>>
      %dma_wait3A_241 = tpu.memref_squeeze %dma_wait3A_240 : memref<1x200x64xf32, #tpu.memory_space<vmem>> -> memref<200x64xf32, #tpu.memory_space<vmem>>
      %dma_wait3A_242 = arith.constant 0 : i32
      %dma_wait3A_243 = arith.constant 0 : i32
      %dma_wait3A_244 = tpu.memref_slice %arg4[%mul3A_2, %dma_wait3A_242, %dma_wait3A_243] : memref<4096x200x64xf32, #tpu.memory_space<hbm>> -> memref<1x200x64xf32, #tpu.memory_space<hbm>>
      %dma_wait3A_245 = tpu.memref_squeeze %dma_wait3A_244 : memref<1x200x64xf32, #tpu.memory_space<hbm>> -> memref<200x64xf32, #tpu.memory_space<hbm>>
      %dma_wait3A_246 = arith.constant 0 : i32
      %dma_wait3A_247 = arith.constant 0 : i32
      %dma_wait3A_248 = tpu.memref_slice %arg6[%dma_wait3A_237, %dma_wait3A_246, %dma_wait3A_247] : memref<4x200x64xf32, #tpu.memory_space<vmem>> -> memref<1x200x64xf32, #tpu.memory_space<vmem>>
      %dma_wait3A_249 = tpu.memref_squeeze %dma_wait3A_248 : memref<1x200x64xf32, #tpu.memory_space<vmem>> -> memref<200x64xf32, #tpu.memory_space<vmem>>
      %dma_wait3A_250 = arith.constant 0 : i32
      %dma_wait3A_251 = arith.constant 0 : i32
      %dma_wait3A_252 = tpu.memref_slice %arg4[%mul3A_2, %dma_wait3A_250, %dma_wait3A_251] : memref<4096x200x64xf32, #tpu.memory_space<hbm>> -> memref<1x200x64xf32, #tpu.memory_space<hbm>>
      %dma_wait3A_253 = tpu.memref_squeeze %dma_wait3A_252 : memref<1x200x64xf32, #tpu.memory_space<hbm>> -> memref<200x64xf32, #tpu.memory_space<hbm>>
      tpu.wait_dma2 semaphore(%arg10 : memref<!tpu.dma_semaphore, #tpu.memory_space<semaphore_mem>>) src(%dma_wait3A_253 : memref<200x64xf32, #tpu.memory_space<hbm>>) dst(%dma_wait3A_249 : memref<200x64xf32, #tpu.memory_space<vmem>>)
      %add3A_254 = arith.constant 3 : i32
      %add3A_255 = arith.addi %add3A_125, %add3A_254 : i32
      %add3A_256 = arith.addi %mul3A_2, %add3A_255 : i32
      %dma_start3A_257 = arith.constant 3 : i32
      %dma_start3A_258 = arith.constant 0 : i32
      %dma_start3A_259 = arith.constant 0 : i32
      %dma_start3A_260 = tpu.memref_slice %arg6[%dma_start3A_257, %dma_start3A_258, %dma_start3A_259] : memref<4x200x64xf32, #tpu.memory_space<vmem>> -> memref<1x200x64xf32, #tpu.memory_space<vmem>>
      %dma_start3A_261 = tpu.memref_squeeze %dma_start3A_260 : memref<1x200x64xf32, #tpu.memory_space<vmem>> -> memref<200x64xf32, #tpu.memory_space<vmem>>
      %dma_start3A_262 = arith.constant 0 : i32
      %dma_start3A_263 = arith.constant 0 : i32
      %dma_start3A_264 = tpu.memref_slice %arg4[%add3A_256, %dma_start3A_262, %dma_start3A_263] : memref<4096x200x64xf32, #tpu.memory_space<hbm>> -> memref<1x200x64xf32, #tpu.memory_space<hbm>>
      %dma_start3A_265 = tpu.memref_squeeze %dma_start3A_264 : memref<1x200x64xf32, #tpu.memory_space<hbm>> -> memref<200x64xf32, #tpu.memory_space<hbm>>
      %dma_start3A_266 = arith.constant 0 : i32
      %dma_start3A_267 = arith.constant 0 : i32
      %dma_start3A_268 = tpu.memref_slice %arg4[%add3A_256, %dma_start3A_266, %dma_start3A_267] : memref<4096x200x64xf32, #tpu.memory_space<hbm>> -> memref<1x200x64xf32, #tpu.memory_space<hbm>>
      %dma_start3A_269 = tpu.memref_squeeze %dma_start3A_268 : memref<1x200x64xf32, #tpu.memory_space<hbm>> -> memref<200x64xf32, #tpu.memory_space<hbm>>
      %dma_start3A_270 = arith.constant 0 : i32
      %dma_start3A_271 = arith.constant 0 : i32
      %dma_start3A_272 = tpu.memref_slice %arg6[%dma_start3A_257, %dma_start3A_270, %dma_start3A_271] : memref<4x200x64xf32, #tpu.memory_space<vmem>> -> memref<1x200x64xf32, #tpu.memory_space<vmem>>
      %dma_start3A_273 = tpu.memref_squeeze %dma_start3A_272 : memref<1x200x64xf32, #tpu.memory_space<vmem>> -> memref<200x64xf32, #tpu.memory_space<vmem>>
      tpu.enqueue_dma source(%dma_start3A_273 : memref<200x64xf32, #tpu.memory_space<vmem>>) target(%dma_start3A_269 : memref<200x64xf32, #tpu.memory_space<hbm>>) target_semaphore(%arg14 : memref<!tpu.dma_semaphore, #tpu.memory_space<semaphore_mem>>)
      %add3A_274 = arith.constant 0 : i32
      %add3A_275 = arith.addi %add3A_125, %add3A_274 : i32
      %add3A_276 = arith.constant 4 : i32
      %add3A_277 = arith.addi %add3A_275, %add3A_276 : i32
      %lt3A = arith.constant 128 : i32
      %lt3A_278 = arith.cmpi slt, %add3A_277, %lt3A : i32
      %convert_element_type3A = arith.extui %lt3A_278 : i1 to i32
      %cond3A = arith.constant 0 : i32
      %cond3A_279 = arith.cmpi ne, %convert_element_type3A, %cond3A : i32
      scf.if %cond3A_279 {
        %dma_wait3A_307 = arith.constant 0 : i32
        %dma_wait3A_308 = arith.constant 0 : i32
        %dma_wait3A_309 = arith.constant 0 : i32
        %dma_wait3A_310 = tpu.memref_slice %arg6[%dma_wait3A_307, %dma_wait3A_308, %dma_wait3A_309] : memref<4x200x64xf32, #tpu.memory_space<vmem>> -> memref<1x200x64xf32, #tpu.memory_space<vmem>>
        %dma_wait3A_311 = tpu.memref_squeeze %dma_wait3A_310 : memref<1x200x64xf32, #tpu.memory_space<vmem>> -> memref<200x64xf32, #tpu.memory_space<vmem>>
        %dma_wait3A_312 = arith.constant 0 : i32
        %dma_wait3A_313 = arith.constant 0 : i32
        %dma_wait3A_314 = tpu.memref_slice %arg4[%mul3A_2, %dma_wait3A_312, %dma_wait3A_313] : memref<4096x200x64xf32, #tpu.memory_space<hbm>> -> memref<1x200x64xf32, #tpu.memory_space<hbm>>
        %dma_wait3A_315 = tpu.memref_squeeze %dma_wait3A_314 : memref<1x200x64xf32, #tpu.memory_space<hbm>> -> memref<200x64xf32, #tpu.memory_space<hbm>>
        %dma_wait3A_316 = arith.constant 0 : i32
        %dma_wait3A_317 = arith.constant 0 : i32
        %dma_wait3A_318 = tpu.memref_slice %arg4[%mul3A_2, %dma_wait3A_316, %dma_wait3A_317] : memref<4096x200x64xf32, #tpu.memory_space<hbm>> -> memref<1x200x64xf32, #tpu.memory_space<hbm>>
        %dma_wait3A_319 = tpu.memref_squeeze %dma_wait3A_318 : memref<1x200x64xf32, #tpu.memory_space<hbm>> -> memref<200x64xf32, #tpu.memory_space<hbm>>
        %dma_wait3A_320 = arith.constant 0 : i32
        %dma_wait3A_321 = arith.constant 0 : i32
        %dma_wait3A_322 = tpu.memref_slice %arg6[%dma_wait3A_307, %dma_wait3A_320, %dma_wait3A_321] : memref<4x200x64xf32, #tpu.memory_space<vmem>> -> memref<1x200x64xf32, #tpu.memory_space<vmem>>
        %dma_wait3A_323 = tpu.memref_squeeze %dma_wait3A_322 : memref<1x200x64xf32, #tpu.memory_space<vmem>> -> memref<200x64xf32, #tpu.memory_space<vmem>>
        tpu.wait_dma2 semaphore(%arg11 : memref<!tpu.dma_semaphore, #tpu.memory_space<semaphore_mem>>) src(%dma_wait3A_323 : memref<200x64xf32, #tpu.memory_space<vmem>>) dst(%dma_wait3A_319 : memref<200x64xf32, #tpu.memory_space<hbm>>)
        %add3A_324 = arith.constant 4 : i32
        %add3A_325 = arith.addi %add3A_275, %add3A_324 : i32
        %dma_start3A_326 = arith.constant 0 : i32
        %dma_start3A_327 = arith.constant 0 : i32
        %dma_start3A_328 = arith.constant 0 : i32
        %dma_start3A_329 = tpu.memref_slice %arg6[%dma_start3A_326, %dma_start3A_327, %dma_start3A_328] : memref<4x200x64xf32, #tpu.memory_space<vmem>> -> memref<1x200x64xf32, #tpu.memory_space<vmem>>
        %dma_start3A_330 = tpu.memref_squeeze %dma_start3A_329 : memref<1x200x64xf32, #tpu.memory_space<vmem>> -> memref<200x64xf32, #tpu.memory_space<vmem>>
        %dma_start3A_331 = arith.constant 0 : i32
        %dma_start3A_332 = tpu.memref_slice %arg5[%add3A_325, %dma_start3A_331] : memref<128x200xi32, #tpu.memory_space<vmem>> -> memref<1x200xi32, #tpu.memory_space<vmem>>
        %dma_start3A_333 = tpu.memref_squeeze %dma_start3A_332 : memref<1x200xi32, #tpu.memory_space<vmem>> -> memref<200xi32, #tpu.memory_space<vmem>>
        %dma_start3A_334 = arith.constant 0 : i32
        %dma_start3A_335 = arith.constant 0 : i32
        %dma_start3A_336 = tpu.memref_slice %arg3[%dma_start3A_334, %dma_start3A_335] : memref<1000000x64xf32, #tpu.memory_space<hbm>> -> memref<1000000x64xf32, #tpu.memory_space<hbm>>
        tpu.enqueue_indirect_dma source(%dma_start3A_336 : memref<1000000x64xf32, #tpu.memory_space<hbm>>) target(%dma_start3A_330 : memref<200x64xf32, #tpu.memory_space<vmem>>) offsets(%dma_start3A_333 : memref<200xi32, #tpu.memory_space<vmem>>) semaphore(%arg7 : memref<!tpu.dma_semaphore, #tpu.memory_space<semaphore_mem>>)
      } else {
      }
      %add3A_280 = arith.constant 1 : i32
      %add3A_281 = arith.addi %add3A_125, %add3A_280 : i32
      %add3A_282 = arith.constant 4 : i32
      %add3A_283 = arith.addi %add3A_281, %add3A_282 : i32
      %lt3A_284 = arith.constant 128 : i32
      %lt3A_285 = arith.cmpi slt, %add3A_283, %lt3A_284 : i32
      %convert_element_type3A_286 = arith.extui %lt3A_285 : i1 to i32
      %cond3A_287 = arith.constant 0 : i32
      %cond3A_288 = arith.cmpi ne, %convert_element_type3A_286, %cond3A_287 : i32
      scf.if %cond3A_288 {
        %dma_wait3A_307 = arith.constant 1 : i32
        %dma_wait3A_308 = arith.constant 0 : i32
        %dma_wait3A_309 = arith.constant 0 : i32
        %dma_wait3A_310 = tpu.memref_slice %arg6[%dma_wait3A_307, %dma_wait3A_308, %dma_wait3A_309] : memref<4x200x64xf32, #tpu.memory_space<vmem>> -> memref<1x200x64xf32, #tpu.memory_space<vmem>>
        %dma_wait3A_311 = tpu.memref_squeeze %dma_wait3A_310 : memref<1x200x64xf32, #tpu.memory_space<vmem>> -> memref<200x64xf32, #tpu.memory_space<vmem>>
        %dma_wait3A_312 = arith.constant 0 : i32
        %dma_wait3A_313 = arith.constant 0 : i32
        %dma_wait3A_314 = tpu.memref_slice %arg4[%mul3A_2, %dma_wait3A_312, %dma_wait3A_313] : memref<4096x200x64xf32, #tpu.memory_space<hbm>> -> memref<1x200x64xf32, #tpu.memory_space<hbm>>
        %dma_wait3A_315 = tpu.memref_squeeze %dma_wait3A_314 : memref<1x200x64xf32, #tpu.memory_space<hbm>> -> memref<200x64xf32, #tpu.memory_space<hbm>>
        %dma_wait3A_316 = arith.constant 0 : i32
        %dma_wait3A_317 = arith.constant 0 : i32
        %dma_wait3A_318 = tpu.memref_slice %arg4[%mul3A_2, %dma_wait3A_316, %dma_wait3A_317] : memref<4096x200x64xf32, #tpu.memory_space<hbm>> -> memref<1x200x64xf32, #tpu.memory_space<hbm>>
        %dma_wait3A_319 = tpu.memref_squeeze %dma_wait3A_318 : memref<1x200x64xf32, #tpu.memory_space<hbm>> -> memref<200x64xf32, #tpu.memory_space<hbm>>
        %dma_wait3A_320 = arith.constant 0 : i32
        %dma_wait3A_321 = arith.constant 0 : i32
        %dma_wait3A_322 = tpu.memref_slice %arg6[%dma_wait3A_307, %dma_wait3A_320, %dma_wait3A_321] : memref<4x200x64xf32, #tpu.memory_space<vmem>> -> memref<1x200x64xf32, #tpu.memory_space<vmem>>
        %dma_wait3A_323 = tpu.memref_squeeze %dma_wait3A_322 : memref<1x200x64xf32, #tpu.memory_space<vmem>> -> memref<200x64xf32, #tpu.memory_space<vmem>>
        tpu.wait_dma2 semaphore(%arg12 : memref<!tpu.dma_semaphore, #tpu.memory_space<semaphore_mem>>) src(%dma_wait3A_323 : memref<200x64xf32, #tpu.memory_space<vmem>>) dst(%dma_wait3A_319 : memref<200x64xf32, #tpu.memory_space<hbm>>)
        %add3A_324 = arith.constant 4 : i32
        %add3A_325 = arith.addi %add3A_281, %add3A_324 : i32
        %dma_start3A_326 = arith.constant 1 : i32
        %dma_start3A_327 = arith.constant 0 : i32
        %dma_start3A_328 = arith.constant 0 : i32
        %dma_start3A_329 = tpu.memref_slice %arg6[%dma_start3A_326, %dma_start3A_327, %dma_start3A_328] : memref<4x200x64xf32, #tpu.memory_space<vmem>> -> memref<1x200x64xf32, #tpu.memory_space<vmem>>
        %dma_start3A_330 = tpu.memref_squeeze %dma_start3A_329 : memref<1x200x64xf32, #tpu.memory_space<vmem>> -> memref<200x64xf32, #tpu.memory_space<vmem>>
        %dma_start3A_331 = arith.constant 0 : i32
        %dma_start3A_332 = tpu.memref_slice %arg5[%add3A_325, %dma_start3A_331] : memref<128x200xi32, #tpu.memory_space<vmem>> -> memref<1x200xi32, #tpu.memory_space<vmem>>
        %dma_start3A_333 = tpu.memref_squeeze %dma_start3A_332 : memref<1x200xi32, #tpu.memory_space<vmem>> -> memref<200xi32, #tpu.memory_space<vmem>>
        %dma_start3A_334 = arith.constant 0 : i32
        %dma_start3A_335 = arith.constant 0 : i32
        %dma_start3A_336 = tpu.memref_slice %arg3[%dma_start3A_334, %dma_start3A_335] : memref<1000000x64xf32, #tpu.memory_space<hbm>> -> memref<1000000x64xf32, #tpu.memory_space<hbm>>
        tpu.enqueue_indirect_dma source(%dma_start3A_336 : memref<1000000x64xf32, #tpu.memory_space<hbm>>) target(%dma_start3A_330 : memref<200x64xf32, #tpu.memory_space<vmem>>) offsets(%dma_start3A_333 : memref<200xi32, #tpu.memory_space<vmem>>) semaphore(%arg8 : memref<!tpu.dma_semaphore, #tpu.memory_space<semaphore_mem>>)
      } else {
      }
      %add3A_289 = arith.constant 2 : i32
      %add3A_290 = arith.addi %add3A_125, %add3A_289 : i32
      %add3A_291 = arith.constant 4 : i32
      %add3A_292 = arith.addi %add3A_290, %add3A_291 : i32
      %lt3A_293 = arith.constant 128 : i32
      %lt3A_294 = arith.cmpi slt, %add3A_292, %lt3A_293 : i32
      %convert_element_type3A_295 = arith.extui %lt3A_294 : i1 to i32
      %cond3A_296 = arith.constant 0 : i32
      %cond3A_297 = arith.cmpi ne, %convert_element_type3A_295, %cond3A_296 : i32
      scf.if %cond3A_297 {
        %dma_wait3A_307 = arith.constant 2 : i32
        %dma_wait3A_308 = arith.constant 0 : i32
        %dma_wait3A_309 = arith.constant 0 : i32
        %dma_wait3A_310 = tpu.memref_slice %arg6[%dma_wait3A_307, %dma_wait3A_308, %dma_wait3A_309] : memref<4x200x64xf32, #tpu.memory_space<vmem>> -> memref<1x200x64xf32, #tpu.memory_space<vmem>>
        %dma_wait3A_311 = tpu.memref_squeeze %dma_wait3A_310 : memref<1x200x64xf32, #tpu.memory_space<vmem>> -> memref<200x64xf32, #tpu.memory_space<vmem>>
        %dma_wait3A_312 = arith.constant 0 : i32
        %dma_wait3A_313 = arith.constant 0 : i32
        %dma_wait3A_314 = tpu.memref_slice %arg4[%mul3A_2, %dma_wait3A_312, %dma_wait3A_313] : memref<4096x200x64xf32, #tpu.memory_space<hbm>> -> memref<1x200x64xf32, #tpu.memory_space<hbm>>
        %dma_wait3A_315 = tpu.memref_squeeze %dma_wait3A_314 : memref<1x200x64xf32, #tpu.memory_space<hbm>> -> memref<200x64xf32, #tpu.memory_space<hbm>>
        %dma_wait3A_316 = arith.constant 0 : i32
        %dma_wait3A_317 = arith.constant 0 : i32
        %dma_wait3A_318 = tpu.memref_slice %arg4[%mul3A_2, %dma_wait3A_316, %dma_wait3A_317] : memref<4096x200x64xf32, #tpu.memory_space<hbm>> -> memref<1x200x64xf32, #tpu.memory_space<hbm>>
        %dma_wait3A_319 = tpu.memref_squeeze %dma_wait3A_318 : memref<1x200x64xf32, #tpu.memory_space<hbm>> -> memref<200x64xf32, #tpu.memory_space<hbm>>
        %dma_wait3A_320 = arith.constant 0 : i32
        %dma_wait3A_321 = arith.constant 0 : i32
        %dma_wait3A_322 = tpu.memref_slice %arg6[%dma_wait3A_307, %dma_wait3A_320, %dma_wait3A_321] : memref<4x200x64xf32, #tpu.memory_space<vmem>> -> memref<1x200x64xf32, #tpu.memory_space<vmem>>
        %dma_wait3A_323 = tpu.memref_squeeze %dma_wait3A_322 : memref<1x200x64xf32, #tpu.memory_space<vmem>> -> memref<200x64xf32, #tpu.memory_space<vmem>>
        tpu.wait_dma2 semaphore(%arg13 : memref<!tpu.dma_semaphore, #tpu.memory_space<semaphore_mem>>) src(%dma_wait3A_323 : memref<200x64xf32, #tpu.memory_space<vmem>>) dst(%dma_wait3A_319 : memref<200x64xf32, #tpu.memory_space<hbm>>)
        %add3A_324 = arith.constant 4 : i32
        %add3A_325 = arith.addi %add3A_290, %add3A_324 : i32
        %dma_start3A_326 = arith.constant 2 : i32
        %dma_start3A_327 = arith.constant 0 : i32
        %dma_start3A_328 = arith.constant 0 : i32
        %dma_start3A_329 = tpu.memref_slice %arg6[%dma_start3A_326, %dma_start3A_327, %dma_start3A_328] : memref<4x200x64xf32, #tpu.memory_space<vmem>> -> memref<1x200x64xf32, #tpu.memory_space<vmem>>
        %dma_start3A_330 = tpu.memref_squeeze %dma_start3A_329 : memref<1x200x64xf32, #tpu.memory_space<vmem>> -> memref<200x64xf32, #tpu.memory_space<vmem>>
        %dma_start3A_331 = arith.constant 0 : i32
        %dma_start3A_332 = tpu.memref_slice %arg5[%add3A_325, %dma_start3A_331] : memref<128x200xi32, #tpu.memory_space<vmem>> -> memref<1x200xi32, #tpu.memory_space<vmem>>
        %dma_start3A_333 = tpu.memref_squeeze %dma_start3A_332 : memref<1x200xi32, #tpu.memory_space<vmem>> -> memref<200xi32, #tpu.memory_space<vmem>>
        %dma_start3A_334 = arith.constant 0 : i32
        %dma_start3A_335 = arith.constant 0 : i32
        %dma_start3A_336 = tpu.memref_slice %arg3[%dma_start3A_334, %dma_start3A_335] : memref<1000000x64xf32, #tpu.memory_space<hbm>> -> memref<1000000x64xf32, #tpu.memory_space<hbm>>
        tpu.enqueue_indirect_dma source(%dma_start3A_336 : memref<1000000x64xf32, #tpu.memory_space<hbm>>) target(%dma_start3A_330 : memref<200x64xf32, #tpu.memory_space<vmem>>) offsets(%dma_start3A_333 : memref<200xi32, #tpu.memory_space<vmem>>) semaphore(%arg9 : memref<!tpu.dma_semaphore, #tpu.memory_space<semaphore_mem>>)
      } else {
      }
      %add3A_298 = arith.constant 3 : i32
      %add3A_299 = arith.addi %add3A_125, %add3A_298 : i32
      %add3A_300 = arith.constant 4 : i32
      %add3A_301 = arith.addi %add3A_299, %add3A_300 : i32
      %lt3A_302 = arith.constant 128 : i32
      %lt3A_303 = arith.cmpi slt, %add3A_301, %lt3A_302 : i32
      %convert_element_type3A_304 = arith.extui %lt3A_303 : i1 to i32
      %cond3A_305 = arith.constant 0 : i32
      %cond3A_306 = arith.cmpi ne, %convert_element_type3A_304, %cond3A_305 : i32
      scf.if %cond3A_306 {
        %dma_wait3A_307 = arith.constant 3 : i32
        %dma_wait3A_308 = arith.constant 0 : i32
        %dma_wait3A_309 = arith.constant 0 : i32
        %dma_wait3A_310 = tpu.memref_slice %arg6[%dma_wait3A_307, %dma_wait3A_308, %dma_wait3A_309] : memref<4x200x64xf32, #tpu.memory_space<vmem>> -> memref<1x200x64xf32, #tpu.memory_space<vmem>>
        %dma_wait3A_311 = tpu.memref_squeeze %dma_wait3A_310 : memref<1x200x64xf32, #tpu.memory_space<vmem>> -> memref<200x64xf32, #tpu.memory_space<vmem>>
        %dma_wait3A_312 = arith.constant 0 : i32
        %dma_wait3A_313 = arith.constant 0 : i32
        %dma_wait3A_314 = tpu.memref_slice %arg4[%mul3A_2, %dma_wait3A_312, %dma_wait3A_313] : memref<4096x200x64xf32, #tpu.memory_space<hbm>> -> memref<1x200x64xf32, #tpu.memory_space<hbm>>
        %dma_wait3A_315 = tpu.memref_squeeze %dma_wait3A_314 : memref<1x200x64xf32, #tpu.memory_space<hbm>> -> memref<200x64xf32, #tpu.memory_space<hbm>>
        %dma_wait3A_316 = arith.constant 0 : i32
        %dma_wait3A_317 = arith.constant 0 : i32
        %dma_wait3A_318 = tpu.memref_slice %arg4[%mul3A_2, %dma_wait3A_316, %dma_wait3A_317] : memref<4096x200x64xf32, #tpu.memory_space<hbm>> -> memref<1x200x64xf32, #tpu.memory_space<hbm>>
        %dma_wait3A_319 = tpu.memref_squeeze %dma_wait3A_318 : memref<1x200x64xf32, #tpu.memory_space<hbm>> -> memref<200x64xf32, #tpu.memory_space<hbm>>
        %dma_wait3A_320 = arith.constant 0 : i32
        %dma_wait3A_321 = arith.constant 0 : i32
        %dma_wait3A_322 = tpu.memref_slice %arg6[%dma_wait3A_307, %dma_wait3A_320, %dma_wait3A_321] : memref<4x200x64xf32, #tpu.memory_space<vmem>> -> memref<1x200x64xf32, #tpu.memory_space<vmem>>
        %dma_wait3A_323 = tpu.memref_squeeze %dma_wait3A_322 : memref<1x200x64xf32, #tpu.memory_space<vmem>> -> memref<200x64xf32, #tpu.memory_space<vmem>>
        tpu.wait_dma2 semaphore(%arg14 : memref<!tpu.dma_semaphore, #tpu.memory_space<semaphore_mem>>) src(%dma_wait3A_323 : memref<200x64xf32, #tpu.memory_space<vmem>>) dst(%dma_wait3A_319 : memref<200x64xf32, #tpu.memory_space<hbm>>)
        %add3A_324 = arith.constant 4 : i32
        %add3A_325 = arith.addi %add3A_299, %add3A_324 : i32
        %dma_start3A_326 = arith.constant 3 : i32
        %dma_start3A_327 = arith.constant 0 : i32
        %dma_start3A_328 = arith.constant 0 : i32
        %dma_start3A_329 = tpu.memref_slice %arg6[%dma_start3A_326, %dma_start3A_327, %dma_start3A_328] : memref<4x200x64xf32, #tpu.memory_space<vmem>> -> memref<1x200x64xf32, #tpu.memory_space<vmem>>
        %dma_start3A_330 = tpu.memref_squeeze %dma_start3A_329 : memref<1x200x64xf32, #tpu.memory_space<vmem>> -> memref<200x64xf32, #tpu.memory_space<vmem>>
        %dma_start3A_331 = arith.constant 0 : i32
        %dma_start3A_332 = tpu.memref_slice %arg5[%add3A_325, %dma_start3A_331] : memref<128x200xi32, #tpu.memory_space<vmem>> -> memref<1x200xi32, #tpu.memory_space<vmem>>
        %dma_start3A_333 = tpu.memref_squeeze %dma_start3A_332 : memref<1x200xi32, #tpu.memory_space<vmem>> -> memref<200xi32, #tpu.memory_space<vmem>>
        %dma_start3A_334 = arith.constant 0 : i32
        %dma_start3A_335 = arith.constant 0 : i32
        %dma_start3A_336 = tpu.memref_slice %arg3[%dma_start3A_334, %dma_start3A_335] : memref<1000000x64xf32, #tpu.memory_space<hbm>> -> memref<1000000x64xf32, #tpu.memory_space<hbm>>
        tpu.enqueue_indirect_dma source(%dma_start3A_336 : memref<1000000x64xf32, #tpu.memory_space<hbm>>) target(%dma_start3A_330 : memref<200x64xf32, #tpu.memory_space<vmem>>) offsets(%dma_start3A_333 : memref<200xi32, #tpu.memory_space<vmem>>) semaphore(%arg10 : memref<!tpu.dma_semaphore, #tpu.memory_space<semaphore_mem>>)
      } else {
      }
    }
    %scan3A_53 = arith.constant 32 : i32
    %dma_wait3A = arith.constant 0 : i32
    %dma_wait3A_54 = arith.constant 0 : i32
    %dma_wait3A_55 = arith.constant 0 : i32
    %dma_wait3A_56 = tpu.memref_slice %arg6[%dma_wait3A, %dma_wait3A_54, %dma_wait3A_55] : memref<4x200x64xf32, #tpu.memory_space<vmem>> -> memref<1x200x64xf32, #tpu.memory_space<vmem>>
    %dma_wait3A_57 = tpu.memref_squeeze %dma_wait3A_56 : memref<1x200x64xf32, #tpu.memory_space<vmem>> -> memref<200x64xf32, #tpu.memory_space<vmem>>
    %dma_wait3A_58 = arith.constant 0 : i32
    %dma_wait3A_59 = arith.constant 0 : i32
    %dma_wait3A_60 = tpu.memref_slice %arg4[%mul3A_2, %dma_wait3A_58, %dma_wait3A_59] : memref<4096x200x64xf32, #tpu.memory_space<hbm>> -> memref<1x200x64xf32, #tpu.memory_space<hbm>>
    %dma_wait3A_61 = tpu.memref_squeeze %dma_wait3A_60 : memref<1x200x64xf32, #tpu.memory_space<hbm>> -> memref<200x64xf32, #tpu.memory_space<hbm>>
    %dma_wait3A_62 = arith.constant 0 : i32
    %dma_wait3A_63 = arith.constant 0 : i32
    %dma_wait3A_64 = tpu.memref_slice %arg4[%mul3A_2, %dma_wait3A_62, %dma_wait3A_63] : memref<4096x200x64xf32, #tpu.memory_space<hbm>> -> memref<1x200x64xf32, #tpu.memory_space<hbm>>
    %dma_wait3A_65 = tpu.memref_squeeze %dma_wait3A_64 : memref<1x200x64xf32, #tpu.memory_space<hbm>> -> memref<200x64xf32, #tpu.memory_space<hbm>>
    %dma_wait3A_66 = arith.constant 0 : i32
    %dma_wait3A_67 = arith.constant 0 : i32
    %dma_wait3A_68 = tpu.memref_slice %arg6[%dma_wait3A, %dma_wait3A_66, %dma_wait3A_67] : memref<4x200x64xf32, #tpu.memory_space<vmem>> -> memref<1x200x64xf32, #tpu.memory_space<vmem>>
    %dma_wait3A_69 = tpu.memref_squeeze %dma_wait3A_68 : memref<1x200x64xf32, #tpu.memory_space<vmem>> -> memref<200x64xf32, #tpu.memory_space<vmem>>
    tpu.wait_dma2 semaphore(%arg11 : memref<!tpu.dma_semaphore, #tpu.memory_space<semaphore_mem>>) src(%dma_wait3A_69 : memref<200x64xf32, #tpu.memory_space<vmem>>) dst(%dma_wait3A_65 : memref<200x64xf32, #tpu.memory_space<hbm>>)
    %dma_wait3A_70 = arith.constant 1 : i32
    %dma_wait3A_71 = arith.constant 0 : i32
    %dma_wait3A_72 = arith.constant 0 : i32
    %dma_wait3A_73 = tpu.memref_slice %arg6[%dma_wait3A_70, %dma_wait3A_71, %dma_wait3A_72] : memref<4x200x64xf32, #tpu.memory_space<vmem>> -> memref<1x200x64xf32, #tpu.memory_space<vmem>>
    %dma_wait3A_74 = tpu.memref_squeeze %dma_wait3A_73 : memref<1x200x64xf32, #tpu.memory_space<vmem>> -> memref<200x64xf32, #tpu.memory_space<vmem>>
    %dma_wait3A_75 = arith.constant 0 : i32
    %dma_wait3A_76 = arith.constant 0 : i32
    %dma_wait3A_77 = tpu.memref_slice %arg4[%mul3A_2, %dma_wait3A_75, %dma_wait3A_76] : memref<4096x200x64xf32, #tpu.memory_space<hbm>> -> memref<1x200x64xf32, #tpu.memory_space<hbm>>
    %dma_wait3A_78 = tpu.memref_squeeze %dma_wait3A_77 : memref<1x200x64xf32, #tpu.memory_space<hbm>> -> memref<200x64xf32, #tpu.memory_space<hbm>>
    %dma_wait3A_79 = arith.constant 0 : i32
    %dma_wait3A_80 = arith.constant 0 : i32
    %dma_wait3A_81 = tpu.memref_slice %arg4[%mul3A_2, %dma_wait3A_79, %dma_wait3A_80] : memref<4096x200x64xf32, #tpu.memory_space<hbm>> -> memref<1x200x64xf32, #tpu.memory_space<hbm>>
    %dma_wait3A_82 = tpu.memref_squeeze %dma_wait3A_81 : memref<1x200x64xf32, #tpu.memory_space<hbm>> -> memref<200x64xf32, #tpu.memory_space<hbm>>
    %dma_wait3A_83 = arith.constant 0 : i32
    %dma_wait3A_84 = arith.constant 0 : i32
    %dma_wait3A_85 = tpu.memref_slice %arg6[%dma_wait3A_70, %dma_wait3A_83, %dma_wait3A_84] : memref<4x200x64xf32, #tpu.memory_space<vmem>> -> memref<1x200x64xf32, #tpu.memory_space<vmem>>
    %dma_wait3A_86 = tpu.memref_squeeze %dma_wait3A_85 : memref<1x200x64xf32, #tpu.memory_space<vmem>> -> memref<200x64xf32, #tpu.memory_space<vmem>>
    tpu.wait_dma2 semaphore(%arg12 : memref<!tpu.dma_semaphore, #tpu.memory_space<semaphore_mem>>) src(%dma_wait3A_86 : memref<200x64xf32, #tpu.memory_space<vmem>>) dst(%dma_wait3A_82 : memref<200x64xf32, #tpu.memory_space<hbm>>)
    %dma_wait3A_87 = arith.constant 2 : i32
    %dma_wait3A_88 = arith.constant 0 : i32
    %dma_wait3A_89 = arith.constant 0 : i32
    %dma_wait3A_90 = tpu.memref_slice %arg6[%dma_wait3A_87, %dma_wait3A_88, %dma_wait3A_89] : memref<4x200x64xf32, #tpu.memory_space<vmem>> -> memref<1x200x64xf32, #tpu.memory_space<vmem>>
    %dma_wait3A_91 = tpu.memref_squeeze %dma_wait3A_90 : memref<1x200x64xf32, #tpu.memory_space<vmem>> -> memref<200x64xf32, #tpu.memory_space<vmem>>
    %dma_wait3A_92 = arith.constant 0 : i32
    %dma_wait3A_93 = arith.constant 0 : i32
    %dma_wait3A_94 = tpu.memref_slice %arg4[%mul3A_2, %dma_wait3A_92, %dma_wait3A_93] : memref<4096x200x64xf32, #tpu.memory_space<hbm>> -> memref<1x200x64xf32, #tpu.memory_space<hbm>>
    %dma_wait3A_95 = tpu.memref_squeeze %dma_wait3A_94 : memref<1x200x64xf32, #tpu.memory_space<hbm>> -> memref<200x64xf32, #tpu.memory_space<hbm>>
    %dma_wait3A_96 = arith.constant 0 : i32
    %dma_wait3A_97 = arith.constant 0 : i32
    %dma_wait3A_98 = tpu.memref_slice %arg4[%mul3A_2, %dma_wait3A_96, %dma_wait3A_97] : memref<4096x200x64xf32, #tpu.memory_space<hbm>> -> memref<1x200x64xf32, #tpu.memory_space<hbm>>
    %dma_wait3A_99 = tpu.memref_squeeze %dma_wait3A_98 : memref<1x200x64xf32, #tpu.memory_space<hbm>> -> memref<200x64xf32, #tpu.memory_space<hbm>>
    %dma_wait3A_100 = arith.constant 0 : i32
    %dma_wait3A_101 = arith.constant 0 : i32
    %dma_wait3A_102 = tpu.memref_slice %arg6[%dma_wait3A_87, %dma_wait3A_100, %dma_wait3A_101] : memref<4x200x64xf32, #tpu.memory_space<vmem>> -> memref<1x200x64xf32, #tpu.memory_space<vmem>>
    %dma_wait3A_103 = tpu.memref_squeeze %dma_wait3A_102 : memref<1x200x64xf32, #tpu.memory_space<vmem>> -> memref<200x64xf32, #tpu.memory_space<vmem>>
    tpu.wait_dma2 semaphore(%arg13 : memref<!tpu.dma_semaphore, #tpu.memory_space<semaphore_mem>>) src(%dma_wait3A_103 : memref<200x64xf32, #tpu.memory_space<vmem>>) dst(%dma_wait3A_99 : memref<200x64xf32, #tpu.memory_space<hbm>>)
    %dma_wait3A_104 = arith.constant 3 : i32
    %dma_wait3A_105 = arith.constant 0 : i32
    %dma_wait3A_106 = arith.constant 0 : i32
    %dma_wait3A_107 = tpu.memref_slice %arg6[%dma_wait3A_104, %dma_wait3A_105, %dma_wait3A_106] : memref<4x200x64xf32, #tpu.memory_space<vmem>> -> memref<1x200x64xf32, #tpu.memory_space<vmem>>
    %dma_wait3A_108 = tpu.memref_squeeze %dma_wait3A_107 : memref<1x200x64xf32, #tpu.memory_space<vmem>> -> memref<200x64xf32, #tpu.memory_space<vmem>>
    %dma_wait3A_109 = arith.constant 0 : i32
    %dma_wait3A_110 = arith.constant 0 : i32
    %dma_wait3A_111 = tpu.memref_slice %arg4[%mul3A_2, %dma_wait3A_109, %dma_wait3A_110] : memref<4096x200x64xf32, #tpu.memory_space<hbm>> -> memref<1x200x64xf32, #tpu.memory_space<hbm>>
    %dma_wait3A_112 = tpu.memref_squeeze %dma_wait3A_111 : memref<1x200x64xf32, #tpu.memory_space<hbm>> -> memref<200x64xf32, #tpu.memory_space<hbm>>
    %dma_wait3A_113 = arith.constant 0 : i32
    %dma_wait3A_114 = arith.constant 0 : i32
    %dma_wait3A_115 = tpu.memref_slice %arg4[%mul3A_2, %dma_wait3A_113, %dma_wait3A_114] : memref<4096x200x64xf32, #tpu.memory_space<hbm>> -> memref<1x200x64xf32, #tpu.memory_space<hbm>>
    %dma_wait3A_116 = tpu.memref_squeeze %dma_wait3A_115 : memref<1x200x64xf32, #tpu.memory_space<hbm>> -> memref<200x64xf32, #tpu.memory_space<hbm>>
    %dma_wait3A_117 = arith.constant 0 : i32
    %dma_wait3A_118 = arith.constant 0 : i32
    %dma_wait3A_119 = tpu.memref_slice %arg6[%dma_wait3A_104, %dma_wait3A_117, %dma_wait3A_118] : memref<4x200x64xf32, #tpu.memory_space<vmem>> -> memref<1x200x64xf32, #tpu.memory_space<vmem>>
    %dma_wait3A_120 = tpu.memref_squeeze %dma_wait3A_119 : memref<1x200x64xf32, #tpu.memory_space<vmem>> -> memref<200x64xf32, #tpu.memory_space<vmem>>
    tpu.wait_dma2 semaphore(%arg14 : memref<!tpu.dma_semaphore, #tpu.memory_space<semaphore_mem>>) src(%dma_wait3A_120 : memref<200x64xf32, #tpu.memory_space<vmem>>) dst(%dma_wait3A_116 : memref<200x64xf32, #tpu.memory_space<hbm>>)
    return
  }
}

</mosaic_0001>

<sc_bundles>
// kernel: kernel.3.cloned.1.call-start
scs
__scs_entry_jumppad:
0x0: {  	(pc) =	sbr.rel $0x88, $3  }
0x1: {  	(tag) =	ssettag $0x0;
	lr =	simm.s32 $0x1  }
0x2: {  	[smem:$0x3F9F] =	sst lr;
	_ =	strace $0xD0000000  }
0x3: {  	_ = 	snop  }
0x4: {  	_ = 	snop  }
0x5: {  	_ = 	snop  }
0x6: {  	_ = 	snop  }
0x7: {  	_ = 	snop  }
__scs_overlays_trampoline_lowered:
0x8: {  	[smem:$0x3FAE] =	sst s0  }
0x9: {  	[smem:$0x3FAF] =	sst s1  }
0xa: {  	[smem:$0x3FB0] =	sst s2  }
0xb: {  	[smem:$0x3FB1] =	sst s3  }
0xc: {  	[smem:$0x3FB2] =	sst s4  }
0xd: {  	[smem:$0x3FB3] =	sst s5  }
0xe: {  	[smem:$0x3FB4] =	sst s6  }
0xf: {  	[smem:$0x3FB5] =	sst s7  }
0x10: {  	[smem:$0x3FB6] =	sst s8  }
0x11: {  	[smem:$0x3FB7] =	sst s9;
	s0 =	simm.s32 @!p0 $0x0  }
0x12: {  	s1 =	sld [smem:$0x3F9D];
	s0 =	simm.s32 @p0 $0x1  }
0x13: {  	[smem:$0x3FB8] =	sst s0;
	s0 =	simm.s32 @!p1 $0x0  }
0x14: {  	s2 =	sld [smem:$0x3F9C];
	s0 =	simm.s32 @p1 $0x1  }
0x15: {  	[smem:$0x3FB9] =	sst s0;
	s0 =	simm.s32 @!p2 $0x0  }
0x16: {  	s3 =	sld [smem:$0x3FDB];
	s0 =	simm.s32 @p2 $0x1  }
0x17: {  	s4 =	simm.s32 $0x1BF5;
	[smem:$0x3FBB] =	sst s0  }
0x18: {  	s0 =	sld [smem:$0x3F9E];
	_ =	swait.ge [sflag:s4], $0x0  }
0x19: {  	s7 =	sld [smem:$0x3F9F]  }
0x1a: {  	s8 =	sadd.s32 $0xFFFFE003, lr  }
0x1b: {  	s9 =	sadd.s32 $0xFFFFFEF7, lr;
	s5 =	simm.s32 $0xFFFFFFFF;
	p2 =	slt.u32 s8, $0xFFFFF086  }
0x1c: {  	p1 =	slt.u32 s9, $0xF7A;
	s5 =	simm.s32 @!p2 $0x0  }
0x1d: {  	s5 =	simm.s32 @p1 $0x1;
	p0 =	seq.s32 s7, s2  }
0x1e: {  	s7 =	smul.u32 @!p0 $0xF7A, s2;
	p2 =	seq.s32 @!p0 s5, $0x0  }
0x1f: {  	s9 =	smul.u32 $0xF7A, s1;
	s8 =	simm.s32 @!p0 $0x1BF5;
	p2 =	por !p2, p0  }
0x20: {  	[sflag:s8] =	ssyncset.s32 @!p0 $0xFFFFF086;
	s6 =	sadd.s32 @!p0 s3, s7;
	s7 =	simm.s32 @!p0 $0x108  }
0x21: {  	s3 =	sadd.s32 s3, s9;
	s6 =	sadd.s32 @!p0 $0x88, s6;
	s7 =	simm.s32 @p2 $0x1082  }
0x22: {  	[simem:s7], [sflag:s8] =	dma.local @!p0 [hbm:s6], $0xF7A  }
0x23: {  	s9 =	sor.u32 $0xD0000000, s2;
	s6 =	simm.s32 $0x108;
	_ =	swait.ge @!p0 [sflag:s8], $0x0  }
0x24: {  	s3 =	sadd.s32 $0x88, s3;
	s6 =	simm.s32 @!p1 $0x1082;
	[sflag:s4] =	ssyncset.s32 $0xFFFFF086  }
0x25: {  	[simem:s6], [sflag:s4] =	dma.local [hbm:s3], $0xF7A  }
0x26: {  	[smem:$0x3F9F] =	sst s1;
	(tag) =	ssettag s2;
	_ =	strace s9  }
0x27: {  	s1 =	sld [smem:$0x3FAF]  }
0x28: {  	s2 =	sld [smem:$0x3FB0]  }
0x29: {  	s4 =	sld [smem:$0x3FB2]  }
0x2a: {  	p0 =	seq.s32 s5, $0x0;
	s5 =	sld [smem:$0x3FB3]  }
0x2b: {  	s6 =	sld [smem:$0x3FB4]  }
0x2c: {  	s7 =	sld [smem:$0x3FB5]  }
0x2d: {  	s3 =	simm.s32 $0x108;
	s8 =	sld [smem:$0x3FB6]  }
0x2e: {  	s3 =	simm.s32 @!p0 $0x1082;
	s9 =	sld [smem:$0x3FB7]  }
0x2f: {  	lr =	sadd.s32 s0, s3;
	s0 =	sld [smem:$0x3FAE]  }
0x30: {  	s3 =	sld [smem:$0x3FB1]  }
0x31: {  	[smem:$0x3FBA] =	sst s10  }
0x32: {  	s10 =	sld [smem:$0x3FB8];
	_ =	sdelay $0x3  }
0x33: {  	p0 =	seq.s32 s10, $0x1;
	s10 =	sld [smem:$0x3FBA];
	_ =	sdelay $0x3  }
0x34: {  	[smem:$0x3FBA] =	sst s10  }
0x35: {  	s10 =	sld [smem:$0x3FB9];
	_ =	sdelay $0x3  }
0x36: {  	p1 =	seq.s32 s10, $0x1;
	s10 =	sld [smem:$0x3FBA];
	_ =	sdelay $0x3  }
0x37: {  	[smem:$0x3FBA] =	sst s10  }
0x38: {  	s10 =	sld [smem:$0x3FBB]  }
0x39: {  	_ = 	snop;
	(pc) =	sbr.ind lr, $3  }
0x3a: {  	_ = 	snop  }
0x3b: {  	_ = 	snop  }
0x3c: {  	p2 =	seq.s32 s10, $0x1;
	s10 =	sld [smem:$0x3FBA]  }
0x3d: {  	_ =	shalt  }
0x3e: {  	_ =	shalt  }
0x3f: {  	_ =	shalt  }
0x40: {  	_ =	shalt  }
0x41: {  	_ =	shalt  }
0x42: {  	_ =	shalt  }
0x43: {  	_ =	shalt  }
0x44: {  	_ =	shalt  }
0x45: {  	_ =	shalt  }
0x46: {  	_ =	shalt  }
0x47: {  	_ =	shalt  }
0x48: {  	_ =	shalt  }
0x49: {  	_ =	shalt  }
0x4a: {  	_ =	shalt  }
0x4b: {  	_ =	shalt  }
0x4c: {  	_ =	shalt  }
0x4d: {  	_ =	shalt  }
0x4e: {  	_ =	shalt  }
0x4f: {  	_ =	shalt  }
0x50: {  	_ =	shalt  }
0x51: {  	_ =	shalt  }
0x52: {  	_ =	shalt  }
0x53: {  	_ =	shalt  }
0x54: {  	_ =	shalt  }
0x55: {  	_ =	shalt  }
0x56: {  	_ =	shalt  }
0x57: {  	_ =	shalt  }
0x58: {  	_ =	shalt  }
0x59: {  	_ =	shalt  }
0x5a: {  	_ =	shalt  }
0x5b: {  	_ =	shalt  }
0x5c: {  	_ =	shalt  }
0x5d: {  	_ =	shalt  }
0x5e: {  	_ =	shalt  }
0x5f: {  	_ =	shalt  }
0x60: {  	_ =	shalt  }
0x61: {  	_ =	shalt  }
0x62: {  	_ =	shalt  }
0x63: {  	_ =	shalt  }
0x64: {  	_ =	shalt  }
0x65: {  	_ =	shalt  }
0x66: {  	_ =	shalt  }
0x67: {  	_ =	shalt  }
0x68: {  	_ =	shalt  }
0x69: {  	_ =	shalt  }
0x6a: {  	_ =	shalt  }
0x6b: {  	_ =	shalt  }
0x6c: {  	_ =	shalt  }
0x6d: {  	_ =	shalt  }
0x6e: {  	_ =	shalt  }
0x6f: {  	_ =	shalt  }
0x70: {  	_ =	shalt  }
0x71: {  	_ =	shalt  }
0x72: {  	_ =	shalt  }
0x73: {  	_ =	shalt  }
0x74: {  	_ =	shalt  }
0x75: {  	_ =	shalt  }
0x76: {  	_ =	shalt  }
0x77: {  	_ =	shalt  }
0x78: {  	_ =	shalt  }
0x79: {  	_ =	shalt  }
0x7a: {  	_ =	shalt  }
0x7b: {  	_ =	shalt  }
0x7c: {  	_ =	shalt  }
0x7d: {  	_ =	shalt  }
0x7e: {  	_ =	shalt  }
0x7f: {  	_ =	shalt  }
0x80: {  	_ =	shalt  }
0x81: {  	_ =	shalt  }
0x82: {  	_ =	shalt  }
0x83: {  	_ =	shalt  }
0x84: {  	_ =	shalt  }
0x85: {  	_ =	shalt  }
0x86: {  	_ =	shalt  }
0x87: {  	_ =	shalt  }
.Lfunc_end0:
.L_simem_size_0:
called_computation.1_lowered:
.L_overlay_start_0:
0x88: {  	s2 =	sld [smem:$0x3FD9]  }
0x89: {  	s3 =	sld [smem:$0x3FFE];
	_ =	sdelay $0x1  }
0x8a: {  	s1 =	srdreg.scid  }
0x8b: {  	s0 =	sand.u32 $0x1, s1  }
0x8c: {  	s17 =	sshll.u32 s0, $0xA;
	s2 =	sadd.s32 s3, s2  }
0x8d: {  	s2 =	sadd.s32 s2, s17  }
0x8e: {  	[smem:$0x3FC6] =	sst s2  }
0x8f: {  	_ = 	snop  }
0x90: {  	s2 =	sld [smem:$0x3FD0];
	(tm) =	ssettm $0x1  }
0x91: {  	s18 =	sld [smem:$0x3FFB];
	_ =	sdelay $0x3  }
0x92: {  	_ =	strace s18  }
0x93: {  	s3 =	sld [smem:$0x3FFC];
	_ =	sdelay $0x3  }
0x94: {  	_ =	strace s3  }
0x95: {  	s3 =	sld [smem:$0x3FFD];
	_ =	sdelay $0x3  }
0x96: {  	_ =	strace s3  }
0x97: {  	_ =	strace $0x8FFFFFFF  }
0x98: {  	s19 =	sld [smem:$0x3FDB];
	_ =	sdelay $0x1  }
0x99: {  	s4 =	simm.s32 $_scs_section_size  }
0x9a: {  	s5 =	simm.s32 $_size__tile_overlayer_lowered;
	s6 =	simm.s32 $_tile_overlayer_lowered  }
0x9b: {  	s22 =	simm.s32 $0x1BFF;
	s21 =	sshll.u32 s6, $0x1;
	s3 =	sadd.s32 s4, s19  }
0x9c: {  	s7 =	simm.s32 $0x0;
	s20 =	sshll.u32 s5, $0x1;
	s5 =	sadd.s32 s21, s3  }
0x9d: {  	[timem:s7], [sflag:s22] =	dma.local [hbm:s5], s20  }
0x9e: {  	_ =	swait.ge [sflag:s22], s20  }
0x9f: {  	s4 =	ssub.s32 $0x0, s20;
	[sflag:s22] =	ssyncset.done $0x0  }
0xa0: {  	[sflag:s22] =	ssyncadd.s32 s4;
	_ =	sdelay $0x1  }
0xa1: {  	s23 =	simm.s32 $0x1B8B  }
0xa2: {  	_ =	swait.ge [sflag:s23], $0x1  }
0xa3: {  	[sflag:s23] =	ssyncset.done $0x0  }
0xa4: {  	s25 =	simm.s32 $0x1B8E;
	s24 =	sld [smem:$0x3FFE];
	[sflag:s23] =	ssyncadd.s32 $0xFFFFFFFF  }
0xa5: {  	s26 =	simm.s32 $execute0_lowered;
	[smem:$0x3FD2] =	sst s25  }
0xa6: {  	s5 =	sshll.u32 s26, $0x1;
	_ =	strace $0x80000046;
	[dreg:$0x1] =	wrdreg $0xFFFFFFFF  }
0xa7: {  	s28 =	simm.s32 $_size_execute0_lowered;
	s3 =	sadd.s32 s3, s5;
	[dreg:$0x0] =	wrdreg $0x0  }
0xa8: {  	s5 =	sshll.u32 s28, $0x1;
	[dreg:$0x2] =	wrdreg s3  }
0xa9: {  	[dreg:$0x3] =	wrdreg s5  }
0xaa: {  	[dreg:$0x4] =	wrdreg $0xC0  }
0xab: {  	_ =	task [dreg:s7], $0x5FFFF  }
0xac: {  	[dreg:$0x1] =	wrdreg $0xFFFFFFFF  }
0xad: {  	[dreg:$0x0] =	wrdreg $0x60  }
0xae: {  	[dreg:$0x2] =	wrdreg s24  }
0xaf: {  	[dreg:$0x3] =	wrdreg s2  }
0xb0: {  	[dreg:$0x4] =	wrdreg $0x9  }
0xb1: {  	_ =	task.clear_ibuf [dreg:s7], $0x5FFFF;
	_ =	strace $0x90000046  }
0xb2: {  	s29 =	simm.s32 $0x9;
	_ =	strace $0x80000048  }
0xb3: {  	_ =	swait.ge [sflag:s29], $0x1  }
0xb4: {  	[sflag:s29] =	ssyncadd.s32 $0xFFFFFFFF  }
0xb5: {  	_ =	strace $0x90000048  }
0xb6: {  	_ =	sfence  }
0xb7: {  	s30 =	sld [smem:$0x0];
	_ =	sdelay $0x2  }
0xb8: {  	s31 =	sshll.u32 s1, $0xD;
	s1 =	sshrl.u32 s1, $0x2  }
0xb9: {  	s3 =	sand.u32 $0x4000, s31;
	s1 =	sadd.s32 s1, s30  }
0xba: {  	s0 =	sor.u32 s3, s0;
	s1 =	sshll.u32 s1, $0x11  }
0xbb: {  	s0 =	sor.u32 s1, s0  }
0xbc: {  	s0 =	sadd.s32 $0x8F2B, s0  }
0xbd: {  	[sflag:s0] =	ssyncadd.remote.s32 $0x1  }
0xbe: {  	_ =	sfence.sel $0xFFFF  }
0xbf: {  	[dreg:$0x0] =	wrdreg $0xFFFFFFFF;
	(pc) =	sbr.abs _section_cstart, $3  }
0xc0: {  	[dreg:$0x1] =	wrdreg $0xFFFFFFFF  }
0xc1: {  	_ =	task.clear_ibuf [dreg:s7], $0x2FFFF;
	_ =	strace $0x9FFFFFFF  }
0xc2: {  	(tm) =	ssettm $0x7FFFFFFF  }
0xc3: {  	_ =	shalt  }
tec
execute0_lowered:
.L_overlay_start_1:
0x0: {  	(tag) =	ssettag $0x1  }
0x1: {  	s1 =	srdreg.scid;
	s3 =	rddreg [dreg:$0x0]  }
0x2: {  	s0 =	stileid.u32;
	s10 =	rddreg [dreg:$0x1]  }
0x3: {  	s2 =	simm.s32 $0x0;
	s13 =	simm.s32 $0x6400;
	s14 =	simm.s32 $0x9600  }
0x4: {  	s15 =	simm.s32 $0x190;
	s16 =	simm.s32 $0xC800;
	s17 =	simm.s32 $0x258  }
0x5: {  	s18 =	simm.s32 $0xFA00;
	s19 =	simm.s32 $0x1;
	s20 =	simm.s32 $0x2  }
0x6: {  	s21 =	simm.s32 $0x3;
	s22 =	simm.s32 $0x4;
	s23 =	simm.s32 $0x5  }
0x7: {  	s24 =	simm.s32 $0x6;
	s25 =	simm.s32 $0x7;
	s8 =	sand.u32 $0x1, s1  }
0x8: {  	s26 =	simm.s32 $0x8;
	s4 =	sshll.u32 s0, $0x8;
	s5 =	sshll.u32 s8, $0x7  }
0x9: {  	s28 =	simm.s32 $0x0;
	s11 =	smul.u32 $0x64000, s0;
	s4 =	sor.u32 s5, s4  }
0xa: {  	[smem:$0x7FF] =	sst s2;
	s6 =	ssub.s32 $0x2, s8;
	s5 =	smul.u32 $0x19, s4  }
0xb: {  	_ =	strace $0x80000047;
	s7 =	sshrl.u32 s6, $0x1;
	s9 =	smul.u32 $0x640, s4  }
0xc: {  	s12 =	smul.u32 $0x32000, s8;
	s6 =	ssub.s32 s6, s7;
	s5 =	sadd.s32 s5, s3  }
0xd: {  	s3 =	sadd.s32 $0xF42E00, s3;
	s9 =	sadd.s32 s10, s9;
	s10 =	sadd.s32 s11, s10  }
0xe: {  	s11 =	simm.s32 $0x9;
	s4 =	sadd.s32 $0xA00, s5;
	s5 =	smax.u32 s6, $0x1  }
0xf: {  	s6 =	sadd.s32 $0x30700, s9;
	s7 =	sadd.s32 $0x30D40, s9;
	s8 =	sadd.s32 $0x31380, s9  }
0x10: {  	s9 =	sadd.s32 $0x319C0, s9;
	s10 =	sadd.s32 s12, s10;
	s12 =	simm.s32 $0xC8  }
.LBB2_1:
0x11: {  	[tilespmem:s2], [sflag:$0x9] =	stream.linear.gather [hbm4b:s4+s2], $0x6400, $0x38;
	[tilespmem:$0x12C00] =	vst v63  }
0x12: {  	_ =	swait.ge [sflag:s11], $0x6400  }
0x13: {  	[sflag:s11] =	ssyncset.done $0x0  }
0x14: {  	[sflag:s11] =	ssyncadd.s32 $0xFFFF9C00  }
0x15: {  	[tilespmem:s13], [sflag:$0x1] =	stream.indirect.gather [hbm4b:s3+s12], $0x40, s2, s12, $0xb8;
	[tilespmem:$0x12C00] =	vst v63  }
0x16: {  	_ = 	snop  }
0x17: {  	[tilespmem:s14], [sflag:$0x2] =	stream.indirect.gather [hbm4b:s3+s12], $0x40, s12, s12, $0xb8;
	[tilespmem:$0x12C00] =	vst v63  }
0x18: {  	_ = 	snop  }
0x19: {  	[tilespmem:s16], [sflag:$0x3] =	stream.indirect.gather [hbm4b:s3+s12], $0x40, s15, s12, $0xb8;
	[tilespmem:$0x12C00] =	vst v63  }
0x1a: {  	_ = 	snop  }
0x1b: {  	[tilespmem:s18], [sflag:$0x4] =	stream.indirect.gather [hbm4b:s3+s12], $0x40, s17, s12, $0xb8;
	[tilespmem:$0x12C00] =	vst v63  }
0x1c: {  	_ =	swait.ge [sflag:s19], $0x3200  }
0x1d: {  	[sflag:s19] =	ssyncset.done $0x0  }
0x1e: {  	s29 =	sadd.s32 $0x0, s10;
	[sflag:s19] =	ssyncadd.s32 $0xFFFFCE00  }
0x1f: {  	[hbm4b:s29+s2] =	stream.linear.scatter [tilespmem:s13], [sflag:$0x5], $0x3200, $0x38;
	[tilespmem:$0x12C00] =	vst v63  }
0x20: {  	_ =	swait.ge [sflag:s20], $0x3200  }
0x21: {  	[sflag:s20] =	ssyncset.done $0x0  }
0x22: {  	s30 =	sadd.s32 $0x640, s29;
	[sflag:s20] =	ssyncadd.s32 $0xFFFFCE00  }
0x23: {  	[hbm4b:s30+s2] =	stream.linear.scatter [tilespmem:s14], [sflag:$0x6], $0x3200, $0x38;
	[tilespmem:$0x12C00] =	vst v63  }
0x24: {  	_ =	swait.ge [sflag:s21], $0x3200  }
0x25: {  	[sflag:s21] =	ssyncset.done $0x0  }
0x26: {  	s30 =	sadd.s32 $0xC80, s29;
	[sflag:s21] =	ssyncadd.s32 $0xFFFFCE00  }
0x27: {  	[hbm4b:s30+s2] =	stream.linear.scatter [tilespmem:s16], [sflag:$0x7], $0x3200, $0x38;
	[tilespmem:$0x12C00] =	vst v63  }
0x28: {  	_ =	swait.ge [sflag:s22], $0x3200  }
0x29: {  	[sflag:s22] =	ssyncset.done $0x0  }
0x2a: {  	s29 =	sadd.s32 $0x12C0, s29;
	[sflag:s22] =	ssyncadd.s32 $0xFFFFCE00  }
0x2b: {  	[hbm4b:s29+s2] =	stream.linear.scatter [tilespmem:s18], [sflag:$0x8], $0x3200, $0x38;
	[tilespmem:$0x12C00] =	vst v63  }
0x2c: {  	_ =	swait.ge [sflag:s23], $0x3200  }
0x2d: {  	[sflag:s23] =	ssyncset.done $0x0  }
0x2e: {  	s29 =	simm.s32 $0x320;
	[sflag:s23] =	ssyncadd.s32 $0xFFFFCE00  }
0x2f: {  	[tilespmem:s13], [sflag:$0x1] =	stream.indirect.gather [hbm4b:s3+s12], $0x40, s29, s12, $0xb8;
	[tilespmem:$0x12C00] =	vst v63  }
0x30: {  	_ =	swait.ge [sflag:s24], $0x3200  }
0x31: {  	[sflag:s24] =	ssyncset.done $0x0  }
0x32: {  	s29 =	simm.s32 $0x3E8;
	[sflag:s24] =	ssyncadd.s32 $0xFFFFCE00  }
0x33: {  	[tilespmem:s14], [sflag:$0x2] =	stream.indirect.gather [hbm4b:s3+s12], $0x40, s29, s12, $0xb8;
	[tilespmem:$0x12C00] =	vst v63  }
0x34: {  	_ =	swait.ge [sflag:s25], $0x3200  }
0x35: {  	[sflag:s25] =	ssyncset.done $0x0  }
0x36: {  	s29 =	simm.s32 $0x4B0;
	[sflag:s25] =	ssyncadd.s32 $0xFFFFCE00  }
0x37: {  	[tilespmem:s16], [sflag:$0x3] =	stream.indirect.gather [hbm4b:s3+s12], $0x40, s29, s12, $0xb8;
	[tilespmem:$0x12C00] =	vst v63  }
0x38: {  	_ =	swait.ge [sflag:s26], $0x3200  }
0x39: {  	s31 =	simm.s32 $0x898;
	[sflag:s26] =	ssyncset.done $0x0  }
0x3a: {  	s30 =	simm.s32 $0x1900;
	s29 =	simm.s32 $0x578;
	[sflag:s26] =	ssyncadd.s32 $0xFFFFCE00  }
.LBB2_2:
0x3b: {  	[tilespmem:s18], [sflag:$0x4] =	stream.indirect.gather [hbm4b:s3+s12], $0x40, s29, s12, $0xb8;
	[tilespmem:$0x12C00] =	vst v63  }
0x3c: {  	s1 =	smov.u32 s30;
	s29 =	smov.u32 s31  }
0x3d: {  	p0 =	sne.s32 s30, $0x2EE00;
	s30 =	sadd.s32 $0x1900, s30;
	_ =	swait.ge [sflag:s19], $0x3200  }
0x3e: {  	[sflag:s19] =	ssyncset.done $0x0  }
0x3f: {  	s1 =	sadd.s32 s1, s10;
	[sflag:s19] =	ssyncadd.s32 $0xFFFFCE00  }
0x40: {  	[hbm4b:s1+s2] =	stream.linear.scatter [tilespmem:s13], [sflag:$0x5], $0x3200, $0x38;
	[tilespmem:$0x12C00] =	vst v63  }
0x41: {  	_ =	swait.ge [sflag:s20], $0x3200  }
0x42: {  	[sflag:s20] =	ssyncset.done $0x0  }
0x43: {  	s0 =	sadd.s32 $0x640, s1;
	[sflag:s20] =	ssyncadd.s32 $0xFFFFCE00  }
0x44: {  	[hbm4b:s0+s2] =	stream.linear.scatter [tilespmem:s14], [sflag:$0x6], $0x3200, $0x38;
	[tilespmem:$0x12C00] =	vst v63  }
0x45: {  	_ =	swait.ge [sflag:s21], $0x3200  }
0x46: {  	[sflag:s21] =	ssyncset.done $0x0  }
0x47: {  	s0 =	sadd.s32 $0xC80, s1;
	[sflag:s21] =	ssyncadd.s32 $0xFFFFCE00  }
0x48: {  	[hbm4b:s0+s2] =	stream.linear.scatter [tilespmem:s16], [sflag:$0x7], $0x3200, $0x38;
	[tilespmem:$0x12C00] =	vst v63  }
0x49: {  	_ =	swait.ge [sflag:s22], $0x3200  }
0x4a: {  	[sflag:s22] =	ssyncset.done $0x0  }
0x4b: {  	s0 =	sadd.s32 $0x12C0, s1;
	[sflag:s22] =	ssyncadd.s32 $0xFFFFCE00  }
0x4c: {  	[hbm4b:s0+s2] =	stream.linear.scatter [tilespmem:s18], [sflag:$0x8], $0x3200, $0x38;
	[tilespmem:$0x12C00] =	vst v63  }
0x4d: {  	_ =	swait.ge [sflag:s23], $0x3200  }
0x4e: {  	[sflag:s23] =	ssyncset.done $0x0  }
0x4f: {  	s0 =	sadd.s32 $0xFFFFFDA8, s31;
	[sflag:s23] =	ssyncadd.s32 $0xFFFFCE00  }
0x50: {  	[tilespmem:s13], [sflag:$0x1] =	stream.indirect.gather [hbm4b:s3+s12], $0x40, s0, s12, $0xb8;
	[tilespmem:$0x12C00] =	vst v63  }
0x51: {  	_ =	swait.ge [sflag:s24], $0x3200  }
0x52: {  	[sflag:s24] =	ssyncset.done $0x0  }
0x53: {  	s0 =	sadd.s32 $0xFFFFFE70, s31;
	[sflag:s24] =	ssyncadd.s32 $0xFFFFCE00  }
0x54: {  	[tilespmem:s14], [sflag:$0x2] =	stream.indirect.gather [hbm4b:s3+s12], $0x40, s0, s12, $0xb8;
	[tilespmem:$0x12C00] =	vst v63  }
0x55: {  	_ =	swait.ge [sflag:s25], $0x3200  }
0x56: {  	[sflag:s25] =	ssyncset.done $0x0  }
.Ltmp0:
0x57: {  	s0 =	sadd.s32 $0xFFFFFF38, s31;
	[sflag:s25] =	ssyncadd.s32 $0xFFFFCE00;
	(pc) =	sbr.rel @p0 .LBB2_2-.Ltmp0, $4  }
0x58: {  	[tilespmem:s16], [sflag:$0x3] =	stream.indirect.gather [hbm4b:s3+s12], $0x40, s0, s12, $0xb8;
	[tilespmem:$0x12C00] =	vst v63  }
0x59: {  	_ =	swait.ge [sflag:s26], $0x3200  }
0x5a: {  	[sflag:s26] =	ssyncset.done $0x0  }
0x5b: {  	s31 =	sadd.s32 $0x320, s31;
	[sflag:s26] =	ssyncadd.s32 $0xFFFFCE00  }
0x5c: {  	[tilespmem:s18], [sflag:$0x4] =	stream.indirect.gather [hbm4b:s3+s12], $0x40, s29, s12, $0xb8;
	[tilespmem:$0x12C00] =	vst v63  }
0x5d: {  	_ =	swait.ge [sflag:s19], $0x3200  }
0x5e: {  	[sflag:s19] =	ssyncset.done $0x0  }
0x5f: {  	[sflag:s19] =	ssyncadd.s32 $0xFFFFCE00  }
0x60: {  	[hbm4b:s6+s2] =	stream.linear.scatter [tilespmem:s13], [sflag:$0x5], $0x3200, $0x38;
	[tilespmem:$0x12C00] =	vst v63  }
0x61: {  	_ =	swait.ge [sflag:s20], $0x3200  }
0x62: {  	[sflag:s20] =	ssyncset.done $0x0  }
0x63: {  	[sflag:s20] =	ssyncadd.s32 $0xFFFFCE00  }
0x64: {  	[hbm4b:s7+s2] =	stream.linear.scatter [tilespmem:s14], [sflag:$0x6], $0x3200, $0x38;
	[tilespmem:$0x12C00] =	vst v63  }
0x65: {  	_ =	swait.ge [sflag:s21], $0x3200  }
0x66: {  	[sflag:s21] =	ssyncset.done $0x0  }
0x67: {  	[sflag:s21] =	ssyncadd.s32 $0xFFFFCE00  }
0x68: {  	[hbm4b:s8+s2] =	stream.linear.scatter [tilespmem:s16], [sflag:$0x7], $0x3200, $0x38;
	[tilespmem:$0x12C00] =	vst v63  }
0x69: {  	_ =	swait.ge [sflag:s22], $0x3200  }
0x6a: {  	[sflag:s22] =	ssyncset.done $0x0  }
0x6b: {  	[sflag:s22] =	ssyncadd.s32 $0xFFFFCE00  }
0x6c: {  	[hbm4b:s9+s2] =	stream.linear.scatter [tilespmem:s18], [sflag:$0x8], $0x3200, $0x38;
	[tilespmem:$0x12C00] =	vst v63  }
0x6d: {  	_ =	swait.ge [sflag:s23], $0x3200  }
0x6e: {  	[sflag:s23] =	ssyncset.done $0x0  }
0x6f: {  	[sflag:s23] =	ssyncadd.s32 $0xFFFFCE00  }
0x70: {  	_ =	swait.ge [sflag:s24], $0x3200  }
0x71: {  	[sflag:s24] =	ssyncset.done $0x0  }
0x72: {  	s28 =	sadd.s32 $0x1, s28;
	[sflag:s24] =	ssyncadd.s32 $0xFFFFCE00  }
0x73: {  	p0 =	sne.s32 s28, s5;
	_ =	swait.ge [sflag:s25], $0x3200  }
.Ltmp1:
0x74: {  	[sflag:s25] =	ssyncset.done $0x0;
	(pc) =	sbr.rel @p0 .LBB2_1-.Ltmp1, $4  }
0x75: {  	[sflag:s25] =	ssyncadd.s32 $0xFFFFCE00  }
0x76: {  	_ =	swait.ge [sflag:s26], $0x3200  }
0x77: {  	[sflag:s26] =	ssyncset.done $0x0  }
0x78: {  	[sflag:s26] =	ssyncadd.s32 $0xFFFFCE00  }
0x79: {  	_ =	sfence.sel $0x180000  }
0x7a: {  	[bflag:$0x0] =	sbarrier.arrive $0xFFFF  }
0x7b: {  	_ =	strace $0x90000047  }
0x7c: {  	s0 =	stileid.u32;
	[bflag:$0x2] =	sbarrier.arrive $0xFFFF  }
0x7d: {  	p0 =	sne.s32 s0, $0x0;
	s0 =	rddreg [dreg:$0x2]  }
0x7e: {  	s0 =	sadd.s32 @!p0 $0x100000, s0  }
0x7f: {  	[sflag:s0] =	ssyncadd.tile.s32 @!p0 $0x1;
	_ =	shalt  }
.Lfunc_end2:
_tile_overlayer_lowered:
.L_overlay_start_2:
0x80: {  	(tag) =	ssettag $0x2  }
0x81: {  	s0 =	rddreg [dreg:$0x0];
	s2 =	stileid.u32  }
0x82: {  	s1 =	rddreg [dreg:$0x1];
	p0 =	sne.s32 s2, $0x0  }
0x83: {  	s3 =	rddreg [dreg:$0x2];
	[bflag:$0x3] =	sbarrier.arrive $0xFFFF;
	s2 =	simm.s32 @!p0 $0x1C09  }
0x84: {  	[timem:s3], [sflag:s2] =	dma.local @!p0 [hbm:s0], s1  }
0x85: {  	s0 =	simm.s32 @!p0 $0x9  }
0x86: {  	_ =	swait.ge @!p0 [sflag:s0], s1  }
0x87: {  	s1 =	ssub.s32 @!p0 $0x0, s1;
	[sflag:s0] =	ssyncset.done @!p0 $0x0  }
0x88: {  	[sflag:s0] =	ssyncadd.s32 @!p0 s1  }
0x89: {  	[bflag:$0x3] =	sbarrier.arrive $0xFFFF  }
0x8a: {  	_ =	shalt  }

// kernel: sparse-core-data-format-call.cloned.1.call-start
scs
called_computation_lowered:
.L_overlay_start_0:
0x0: {  	s2 =	sld [smem:$0x3FD9]  }
0x1: {  	s3 =	sld [smem:$0x3FFE];
	_ =	sdelay $0x1  }
0x2: {  	s1 =	srdreg.scid  }
0x3: {  	s0 =	sand.u32 $0x1, s1  }
0x4: {  	s18 =	sshll.u32 s0, $0xA;
	s2 =	sadd.s32 s3, s2  }
0x5: {  	s2 =	sadd.s32 s2, s18  }
0x6: {  	[smem:$0x3FC6] =	sst s2  }
0x7: {  	_ = 	snop  }
0x8: {  	s2 =	sld [smem:$0x3FD0];
	(tm) =	ssettm $0x1  }
0x9: {  	s19 =	sld [smem:$0x3FFB];
	_ =	sdelay $0x3  }
0xa: {  	_ =	strace s19  }
0xb: {  	s3 =	sld [smem:$0x3FFC];
	_ =	sdelay $0x3  }
0xc: {  	_ =	strace s3  }
0xd: {  	s3 =	sld [smem:$0x3FFD];
	_ =	sdelay $0x3  }
0xe: {  	_ =	strace s3  }
0xf: {  	_ =	strace $0x8FFFFFFF  }
0x10: {  	s20 =	sld [smem:$0x3FDB];
	_ =	sdelay $0x1  }
0x11: {  	s4 =	simm.s32 $_scs_section_size  }
0x12: {  	s5 =	simm.s32 $_size__tile_overlayer_lowered;
	s6 =	simm.s32 $_tile_overlayer_lowered  }
0x13: {  	s23 =	simm.s32 $0x1BFF;
	s22 =	sshll.u32 s6, $0x1;
	s3 =	sadd.s32 s4, s20  }
0x14: {  	s7 =	simm.s32 $0x0;
	s21 =	sshll.u32 s5, $0x1;
	s5 =	sadd.s32 s22, s3  }
0x15: {  	[timem:s7], [sflag:s23] =	dma.local [hbm:s5], s21  }
0x16: {  	_ =	swait.ge [sflag:s23], s21  }
0x17: {  	s4 =	ssub.s32 $0x0, s21;
	[sflag:s23] =	ssyncset.done $0x0  }
0x18: {  	[sflag:s23] =	ssyncadd.s32 s4;
	_ =	sdelay $0x1  }
0x19: {  	s24 =	simm.s32 $0x1B8B  }
0x1a: {  	_ =	swait.ge [sflag:s24], $0x1  }
0x1b: {  	[sflag:s24] =	ssyncset.done $0x0  }
0x1c: {  	s26 =	simm.s32 $0x1B8E;
	s25 =	sld [smem:$0x3FFE];
	[sflag:s24] =	ssyncadd.s32 $0xFFFFFFFF  }
0x1d: {  	s27 =	simm.s32 $execute0_lowered;
	[smem:$0x3FD2] =	sst s26  }
0x1e: {  	s5 =	sshll.u32 s27, $0x1;
	_ =	strace $0x80000049;
	[dreg:$0x1] =	wrdreg $0xFFFFFFFF  }
0x1f: {  	s28 =	simm.s32 $_size_execute0_lowered;
	s3 =	sadd.s32 s3, s5;
	[dreg:$0x0] =	wrdreg $0x0  }
0x20: {  	s5 =	sshll.u32 s28, $0x1;
	[dreg:$0x2] =	wrdreg s3  }
0x21: {  	[dreg:$0x3] =	wrdreg s5  }
0x22: {  	[dreg:$0x4] =	wrdreg $0xC0  }
0x23: {  	_ =	task [dreg:s7], $0x5FFFF  }
0x24: {  	[dreg:$0x1] =	wrdreg $0xFFFFFFFF  }
0x25: {  	[dreg:$0x0] =	wrdreg $0x60  }
0x26: {  	[dreg:$0x2] =	wrdreg s25  }
0x27: {  	[dreg:$0x3] =	wrdreg s2  }
0x28: {  	[dreg:$0x4] =	wrdreg $0x9  }
0x29: {  	_ =	task.clear_ibuf [dreg:s7], $0x5FFFF;
	_ =	strace $0x90000049  }
0x2a: {  	s29 =	simm.s32 $0x9;
	_ =	strace $0x8000004B  }
0x2b: {  	_ =	swait.ge [sflag:s29], $0x1  }
0x2c: {  	[sflag:s29] =	ssyncadd.s32 $0xFFFFFFFF  }
0x2d: {  	_ =	strace $0x9000004B  }
0x2e: {  	_ =	sfence  }
0x2f: {  	s30 =	sld [smem:$0x0];
	_ =	sdelay $0x2  }
0x30: {  	s31 =	sshll.u32 s1, $0xD;
	s1 =	sshrl.u32 s1, $0x2  }
0x31: {  	s3 =	sand.u32 $0x4000, s31;
	s1 =	sadd.s32 s1, s30  }
0x32: {  	s0 =	sor.u32 s3, s0;
	s1 =	sshll.u32 s1, $0x11  }
0x33: {  	s0 =	sor.u32 s1, s0  }
0x34: {  	s0 =	sadd.s32 $0x8F2B, s0  }
0x35: {  	[sflag:s0] =	ssyncadd.remote.s32 $0x1  }
0x36: {  	_ =	sfence.sel $0xFFFF  }
0x37: {  	[dreg:$0x0] =	wrdreg $0xFFFFFFFF;
	(pc) =	sbr.abs _section_cstart, $3  }
0x38: {  	[dreg:$0x1] =	wrdreg $0xFFFFFFFF  }
0x39: {  	_ =	task.clear_ibuf [dreg:s7], $0x2FFFF;
	_ =	strace $0x9FFFFFFF  }
0x3a: {  	(tm) =	ssettm $0x7FFFFFFF  }
0x3b: {  	_ =	shalt  }
tec
execute0_lowered:
.L_overlay_start_1:
0x0: {  	(tag) =	ssettag $0x1  }
0x1: {  	s0 =	srdreg.scid  }
0x2: {  	s1 =	sshll.u32 s0, $0x4  }
0x3: {  	s0 =	stileid.u32;
	s1 =	sand.u32 $0x10, s1  }
0x4: {  	s1 =	sor.u32 s0, s1  }
0x5: {  	s6 =	rddreg [dreg:$0x0];
	s4 =	simm.s32 $0x1;
	s2 =	sshll.u32 s1, $0x7  }
0x6: {  	s7 =	simm.s32 $0x2;
	s12 =	simm.s32 $0x0;
	s1 =	ssub.s32 $0x1000, s2  }
0x7: {  	s8 =	simm.s32 $0x8000;
	s13 =	simm.s32 $0x0;
	s3 =	sand.u32 $0xF80, s1  }
0x8: {  	s9 =	simm.s32 $0x0;
	s5 =	sshrl.u32 s1, $0xC;
	p0 =	sne.s32 s3, $0x0  }
.Ltmp0:
0x9: {  	s1 =	rddreg [dreg:$0x2];
	s4 =	simm.s32 @!p0 $0x0;
	(pc) =	sbr.rel .LBB1_1-.Ltmp0, $4  }
0xa: {  	s11 =	simm.s32 $0x0;
	s3 =	rddreg [dreg:$0x1];
	s5 =	sadd.s32 s4, s5  }
0xb: {  	_ =	strace $0x8000004A;
	s4 =	simm.s32 $0x1;
	s5 =	smul.u32 $0xC8, s5  }
0xc: {  	s6 =	sadd.s32 $0xA00, s6;
	s10 =	smov.u32 s2;
	[sflag:s4] =	ssyncpa.u1 $0x0  }
0xd: {  	p0 =	por $0x0, $0x0;
	[sflag:s7] =	ssyncpa.u1 $0x0;
	s7 =	sor.u32 $0x1, s5  }
.LBB1_4:
0xe: {  	s16 =	sshll.u32 s13, $0x3;
	s17 =	sand.u32 $0x78, s13  }
0xf: {  	s30 =	sand.u32 $0x7E00, s13;
	s12 =	sshll.u32 s12, $0xF;
	s16 =	sand.u32 $0xC00, s16  }
0x10: {  	[tilespmem:s15+$0x810 ss:$0x81] =	vst.msk $0xffff, v2;
	s31 =	sand.u32 $0x7, s13;
	s16 =	sor.u32 s17, s16;
	s17 =	sadd.s32 s3, s30  }
0x11: {  	[tilespmem:s15+$0x1020 ss:$0x81] =	vst.msk $0xffff, v0;
	s13 =	sshll.u32 s31, $0x12;
	s12 =	sadd.s32 s12, s17;
	s16 =	sshrl.u32 s16, $0x3  }
0x12: {  	[tilespmem:s15+$0x0 ss:$0x81] =	vst.msk $0xffff, v1;
	s13 =	sor.u32 $0x400, s13;
	s12 =	sadd.s32 s16, s12  }
0x13: {  	[hbm4b:s12+s13] =	stream.strided.scatter [tilespmem:s14], [sflag:$0x2], $0x2000, s8, s13, $0x20;
	[tilespmem:$0x8080] =	vst v63  }
.LBB1_5:
0x14: {  	s14 =	sadd.s32 $0x1, s9  }
0x15: {  	s12 =	sadd.s32 $0x1000, s10;
	s16 =	smov.u32 s10;
	p2 =	sgt.s32 s14, $0xC7  }
0x16: {  	s16 =	smov.u32 @p2 s12  }
0x17: {  	s14 =	simm.s32 @p2 $0x0;
	p2 =	sgt.s32 s16, $0xFFF  }
0x18: {  	s16 =	smov.u32 @p2 s2;
	p2 =	sne.s32 s11, s7  }
.Ltmp1:
0x19: {  	p1 =	slt.u32 s11, $0x2;
	(pc) =	sbr.rel @!p2 .LBB1_6-.Ltmp1, $4  }
0x1a: {  	s15 =	simm.s32 @!p1 $0x2  }
0x1b: {  	s13 =	smov.u32 s10;
	p0 =	por !p0, !p0;
	_ =	swait.ge @!p1 [sflag:s15], $0x2000  }
0x1c: {  	s12 =	smov.u32 s9;
	[sflag:s15] =	ssyncset.done @!p1 $0x0;
	s9 =	smov.u32 s14  }
0x1d: {  	s11 =	sadd.s32 $0x1, s11;
	[sflag:s15] =	ssyncadd.s32 @!p1 $0xFFFFE000;
	s10 =	smov.u32 s16  }
.LBB1_1:
0x1e: {  	p1 =	sge.u32 s11, s5  }
0x1f: {  	s14 =	sand.u32 @!p1 $0x1FFFFFF, s9  }
0x20: {  	s15 =	smulhi.u32 @!p1 $0x147AE15, s14;
	_ =	sdelay $0x1  }
0x21: {  	s15 =	smul.u32 @!p1 $0xC8, s15  }
0x22: {  	s16 =	sxor.u32 @!p1 $0xFFFFFFFF, s11;
	s17 =	smul.u32 @!p1 $0xC80, s10  }
0x23: {  	s31 =	sadd.s32 $0xFFFFFFFF, s11;
	s16 =	sshll.u32 @!p1 s16, $0xD;
	s14 =	ssub.s32 @!p1 s14, s15  }
0x24: {  	s15 =	sand.u32 @!p1 $0x2000, s16;
	s16 =	sadd.s32 @!p1 s6, s17;
	s14 =	sshll.u32 @!p1 s14, $0x4  }
0x25: {  	s17 =	simm.s32 @!p1 $0x6400;
	s14 =	sadd.s32 @!p1 s14, s16;
	s16 =	simm.s32 @!p1 $0x40  }
0x26: {  	[tilespmem:s15], [sflag:$0x1] =	stream.strided.gather @!p1 [hbm4b:s14+s16], $0x2000, s17, s16, $0x38;
	[tilespmem:$0x8080] =	vst v63  }
0x27: {  	p1 =	sge.u32 s31, s5  }
.Ltmp2:
0x28: {  	_ = 	snop;
	(pc) =	sbr.rel @p1 .LBB1_5-.Ltmp2, $1  }
0x29: {  	_ =	sdelay $0x3  }
0x2a: {  	s14 =	simm.s32 $0x1  }
0x2b: {  	_ =	swait.ge [sflag:s4], $0x2000;
	s14 =	simm.s32 @!p0 $0x0  }
0x2c: {  	[sflag:s4] =	ssyncset.done $0x0;
	s15 =	sshll.u32 s14, $0xD  }
0x2d: {  	[sflag:s4] =	ssyncadd.s32 $0xFFFFE000;
	s18 =	sor.u32 $0x20, s15  }
0x2e: {  	s14 =	smul.u32 $0x8100, s14;
	v3 =	vld [tilespmem:s18+$0x10]  }
0x2f: {  	s30 =	sand.u32 $0x1, s11;
	v2 =	vld [tilespmem:s18+$0xFFFFFFF0]  }
0x30: {  	s15 =	smul.u32 $0x8100, s30;
	s14 =	sshrl.u32 s14, $0x2;
	v0 =	vld [tilespmem:s18+$0x0]  }
0x31: {  	v1 =	vld [tilespmem:s18+$0xFFFFFFE0];
	s16 =	sor.u32 $0x4000, s14  }
0x32: {  	s31 =	sshrl.u32 s15, $0x2;
	s15 =	sadd.s32 $0x0, s16  }
0x33: {  	s17 =	simm.s32 $0x4;
	s18 =	sadd.s32 $0x40, s18;
	s14 =	sor.u32 $0x4000, s31;
	[tilespmem:s15+$0x1830 ss:$0x81] =	vst.msk $0xffff, v3  }
.LBB1_3:
0x34: {  	v3 =	vld [tilespmem:s18+$0x10];
	p1 =	sne.s32 s17, $0x1FC;
	[tilespmem:s15+$0x810 ss:$0x81] =	vst.msk $0xffff, v2;
	s19 =	smov.u32 s17;
	s17 =	sadd.s32 $0x4, s17  }
.Ltmp3:
0x35: {  	v2 =	vld [tilespmem:s18+$0xFFFFFFF0];
	[tilespmem:s15+$0x1020 ss:$0x81] =	vst.msk $0xffff, v0;
	(pc) =	sbr.rel @p1 .LBB1_3-.Ltmp3, $4  }
0x36: {  	v0 =	vld [tilespmem:s18+$0x0];
	[tilespmem:s15+$0x0 ss:$0x81] =	vst.msk $0xffff, v1  }
0x37: {  	s15 =	sshra.s32 s19, $0x2;
	v1 =	vld [tilespmem:s18+$0xFFFFFFE0]  }
0x38: {  	s15 =	sadd.s32 s15, s16  }
0x39: {  	s18 =	sadd.s32 $0x40, s18;
	[tilespmem:s15+$0x1830 ss:$0x81] =	vst.msk $0xffff, v3  }
.Ltmp4:
0x3a: {  	_ = 	snop;
	(pc) =	sbr.rel .LBB1_4-.Ltmp4, $1  }
0x3b: {  	_ =	sdelay $0x3  }
.LBB1_6:
0x3c: {  	_ =	sfence.sel $0x180000  }
0x3d: {  	s2 =	simm.s32 $0x1;
	[bflag:$0x0] =	sbarrier.arrive $0xFFFF  }
0x3e: {  	s31 =	simm.s32 $0x2;
	[sflag:s2] =	ssyncpa.u1 $0x1  }
0x3f: {  	[sflag:s31] =	ssyncpa.u1 $0x1  }
0x40: {  	p0 =	sne.s32 s0, $0x0;
	_ =	strace $0x9000004A  }
0x41: {  	s0 =	sadd.s32 @!p0 $0x100000, s1;
	[bflag:$0x2] =	sbarrier.arrive $0xFFFF  }
0x42: {  	[sflag:s0] =	ssyncadd.tile.s32 @!p0 $0x1;
	_ =	shalt  }
.Lfunc_end1:
_tile_overlayer_lowered:
.L_overlay_start_2:
0x43: {  	(tag) =	ssettag $0x2  }
0x44: {  	s0 =	rddreg [dreg:$0x0];
	s2 =	stileid.u32  }
0x45: {  	s1 =	rddreg [dreg:$0x1];
	p0 =	sne.s32 s2, $0x0  }
0x46: {  	s3 =	rddreg [dreg:$0x2];
	[bflag:$0x3] =	sbarrier.arrive $0xFFFF;
	s2 =	simm.s32 @!p0 $0x1C01  }
0x47: {  	[timem:s3], [sflag:s2] =	dma.local @!p0 [hbm:s0], s1  }
0x48: {  	s0 =	simm.s32 @!p0 $0x1  }
0x49: {  	_ =	swait.ge @!p0 [sflag:s0], s1  }
0x4a: {  	s1 =	ssub.s32 @!p0 $0x0, s1;
	[sflag:s0] =	ssyncset.done @!p0 $0x0  }
0x4b: {  	[sflag:s0] =	ssyncadd.s32 @!p0 s1  }
0x4c: {  	[bflag:$0x3] =	sbarrier.arrive $0xFFFF  }
0x4d: {  	_ =	shalt  }

</sc_bundles>
